<compile_context>
chip_gen: v7x
topology: tpu7x:2x2x1
jax: 0.10.2.dev20260603
libtpu: 0.0.44.dev20260713+nightly
codegen_flags: <defaults>
</compile_context>

<pallas_src>
import functools

import jax
import jax.numpy as jnp
from jax import lax
from jax.experimental import pallas as pl
from jax.experimental.pallas import tpu as pltpu
from jax.experimental.pallas import tpu_sc as plsc

_N = 10000
_E = 320000
_F = 128
_K = 27

_NC = 2
_NS = 16
_NW = _NC * _NS
_C = 128
_CHUNKS = 79
_PER_W = _C * _CHUNKS
_E_PAD = _PER_W * _NW
_ROWS_PAD = 10240
_ZROWS = 640
_DUMMY_ROW = 10008


def _sc_gather_scatter(y_flat, src_flat, dst):
    mesh = plsc.VectorSubcoreMesh(core_axis_name="c", subcore_axis_name="s")

    @functools.partial(
        pl.kernel,
        mesh=mesh,
        out_type=jax.ShapeDtypeStruct((_NC, _ROWS_PAD, _F), jnp.float32),
        scratch_types=[
            pltpu.VMEM((_C,), jnp.int32),
            pltpu.VMEM((_C,), jnp.int32),
            pltpu.VMEM((_C, _F), jnp.float32),
            pltpu.VMEM((_C, _F), jnp.float32),
            pltpu.VMEM_SHARED((_ROWS_PAD, _F), jnp.float32),
            pltpu.SemaphoreType.DMA,
        ],
    )
    def k(y_hbm, src_hbm, dst_hbm, out_hbm, src_v, dst_v, rows_v, zero_v, acc, sem):
        cid = lax.axis_index("c")
        sid = lax.axis_index("s")
        wid = sid * _NC + cid

        def zrow(i, carry):
            for j in range(_F // 16):
                zero_v[i, pl.ds(j * 16, 16)] = jnp.zeros((16,), jnp.float32)
            return carry

        lax.fori_loop(0, _C, zrow, 0)

        base_z = sid * _ZROWS
        for j in range(_ZROWS // _C):
            pltpu.sync_copy(zero_v, acc.at[pl.ds(base_z + j * _C, _C)])
        plsc.subcore_barrier()

        base_e = wid * _PER_W

        def step(i, carry):
            off = pl.multiple_of(base_e + i * _C, _C)
            pltpu.sync_copy(src_hbm.at[pl.ds(off, _C)], src_v)
            pltpu.sync_copy(dst_hbm.at[pl.ds(off, _C)], dst_v)
            pltpu.async_copy(y_hbm.at[src_v], rows_v, sem).wait()
            pltpu.sync_copy(rows_v, acc.at[dst_v], add=True)
            return carry

        lax.fori_loop(0, _CHUNKS, step, 0)
        plsc.subcore_barrier()

        pltpu.sync_copy(acc.at[pl.ds(base_z, _ZROWS)],
                        out_hbm.at[cid, pl.ds(base_z, _ZROWS)])

    return k(y_flat, src_flat, dst)


def _tc_einsum(feat, W):

    def body(f_ref, w_ref, y_ref):
        y_ref[0] = jnp.dot(f_ref[...], w_ref[0], preferred_element_type=jnp.float32)

    return pl.pallas_call(
        body,
        grid=(_K,),
        in_specs=[
            pl.BlockSpec((_N, _F), lambda k: (0, 0)),
            pl.BlockSpec((1, _F, _F), lambda k: (k, 0, 0)),
        ],
        out_specs=pl.BlockSpec((1, _N, _F), lambda k: (k, 0, 0)),
        out_shape=jax.ShapeDtypeStruct((_K, _N, _F), jnp.float32),
    )(feat, W)


def _tc_bn_silu(p, gamma, beta):

    def body(p_ref, g_ref, b_ref, o_ref):
        h = p_ref[0, :_N] + p_ref[1, :_N]
        mu = jnp.mean(h, axis=0, keepdims=True)
        var = jnp.mean(jnp.square(h - mu), axis=0, keepdims=True)
        hn = (h - mu) * lax.rsqrt(var + 1e-5) * g_ref[...] + b_ref[...]
        o_ref[...] = hn * jax.nn.sigmoid(hn)

    return pl.pallas_call(
        body,
        out_shape=jax.ShapeDtypeStruct((_N, _F), jnp.float32),
    )(p, gamma.reshape(1, _F), beta.reshape(1, _F))


def _tc_final(p, z, Wp, bp, gamma_p, beta_p):

    def body(p_ref, z_ref, w_ref, bp_ref, g_ref, b_ref, o_ref):
        h = p_ref[0, :_N] + p_ref[1, :_N]
        zp = jnp.dot(z_ref[...], w_ref[...], preferred_element_type=jnp.float32)
        zp = zp + bp_ref[...]
        mu = jnp.mean(zp, axis=0, keepdims=True)
        var = jnp.mean(jnp.square(zp - mu), axis=0, keepdims=True)
        zpn = (zp - mu) * lax.rsqrt(var + 1e-5) * g_ref[...] + b_ref[...]
        zpn = jnp.maximum(zpn, 0.0)
        o_ref[...] = h + zpn

    return pl.pallas_call(
        body,
        out_shape=jax.ShapeDtypeStruct((_N, _F), jnp.float32),
    )(p, z, Wp, bp.reshape(1, _F), gamma_p.reshape(1, _F),
      beta_p.reshape(1, _F))


def kernel(x, z, edge_index, kernel_offset, W1, gamma1, beta1, W2, Wp, bp, gamma_p, beta_p):
    src = edge_index[0]
    dst = edge_index[1]
    flat_src = kernel_offset * _N + src
    pad = _E_PAD - _E
    flat_src = jnp.concatenate([flat_src, jnp.zeros((pad,), jnp.int32)])
    dst_p = jnp.concatenate([dst, jnp.full((pad,), _DUMMY_ROW, jnp.int32)])

    y1 = _tc_einsum(x, W1).reshape(_K * _N, _F)
    p1 = _sc_gather_scatter(y1, flat_src, dst_p)
    h1 = _tc_bn_silu(p1, gamma1, beta1)
    y2 = _tc_einsum(h1, W2).reshape(_K * _N, _F)
    p2 = _sc_gather_scatter(y2, flat_src, dst_p)
    out = _tc_final(p2, z, Wp, bp, gamma_p, beta_p)
    return (out, out)

# --- scband reference (transcript-rebuilt; emitter-appended) ---
"""Pipeline reference for scband-stem-stage-3058016715337 (READ-ONLY COPY).

The authoritative reference and input builder live on the scoring server;
editing this copy changes nothing except your own understanding.
"""

import jax, jax.numpy as jnp
import numpy as np

N = 10000
E = 320000
FIN = 128
FOUT = 128
KVOL = 27  # 3x3x3 kernel offsets


def setup_inputs(seed: int = 0) -> dict:
    key = jax.random.key(seed)
    ks = jax.random.split(key, 12)
    x = jax.random.normal(ks[0], (N, FIN), dtype=jnp.float32)
    z = jax.random.normal(ks[1], (N, FIN), dtype=jnp.float32)
    edge_index = jax.random.randint(ks[2], (2, E), 0, N, dtype=jnp.int32)
    kernel_offset = jax.random.randint(ks[3], (E,), 0, KVOL, dtype=jnp.int32)
    s1 = 1.0 / np.sqrt(FIN * KVOL)
    s2 = 1.0 / np.sqrt(FOUT * KVOL)
    W1 = jax.random.normal(ks[4], (KVOL, FIN, FOUT), dtype=jnp.float32) * s1
    gamma1 = jnp.ones((FOUT,), dtype=jnp.float32)
    beta1 = jnp.zeros((FOUT,), dtype=jnp.float32)
    W2 = jax.random.normal(ks[5], (KVOL, FOUT, FOUT), dtype=jnp.float32) * s2
    Wp = jax.random.normal(ks[6], (FIN, FOUT), dtype=jnp.float32) * (1.0 / np.sqrt(FIN))
    bp = jnp.zeros((FOUT,), dtype=jnp.float32)
    gamma_p = jnp.ones((FOUT,), dtype=jnp.float32)
    beta_p = jnp.zeros((FOUT,), dtype=jnp.float32)
    return {
        "x": x, "z": z,
        "edge_index": edge_index, "kernel_offset": kernel_offset,
        "W1": W1, "gamma1": gamma1, "beta1": beta1,
        "W2": W2,
        "Wp": Wp, "bp": bp, "gamma_p": gamma_p, "beta_p": beta_p,
    }


def _batch_norm(h, gamma, beta, eps=1e-5):
    mu = jnp.mean(h, axis=0)
    var = jnp.var(h, axis=0)
    return (h - mu) / jnp.sqrt(var + eps) * gamma + beta


def _sparse_conv3d(feat, W, edge_index, kernel_offset, n_nodes):
    # torchsparse-style gather -> per-kernel-offset matmul -> scatter-add.
    # Transform first (compute-efficient), then gather per-edge messages,
    # then scatter-add into destination voxels.
    y = jnp.einsum('nf,kfo->kno', feat, W)          # [K, N, Fout]
    msgs = y[kernel_offset, edge_index[0]]          # gather: [E, Fout]
    out = jax.ops.segment_sum(msgs, edge_index[1], num_segments=n_nodes)
    return out


def reference(x, z, edge_index, kernel_offset, W1, gamma1, beta1, W2, Wp, bp, gamma_p, beta_p):
    n = x.shape[0]
    # voxel_conv: Conv3d -> BatchNorm -> SiLU -> Conv3d
    h = _sparse_conv3d(x, W1, edge_index, kernel_offset, n)
    h = _batch_norm(h, gamma1, beta1)
    h = h * jax.nn.sigmoid(h)  # SiLU
    h = _sparse_conv3d(h, W2, edge_index, kernel_offset, n)
    # point_conv: SharedMLP = Linear -> BatchNorm -> ReLU
    zp = z @ Wp + bp
    zp = _batch_norm(zp, gamma_p, beta_p)
    zp = jax.nn.relu(zp)
    # mixed_mix: mutual additive fusion of voxel and point branches
    x_out = h + zp
    z_out = zp + h
    return (x_out, z_out)

if __name__ == "__main__":
    import jax
    _d = setup_inputs()
    print(jax.jit(kernel)(*tuple(_d.values())))

</pallas_src>

<mosaic_0001>
#map = affine_map<(d0, d1) -> (0, 0)>
#map1 = affine_map<(d0, d1) -> (0)>
#map2 = affine_map<(d0, d1) -> (0, 0, 0)>
module attributes {stable_mosaic.version = 14 : i64} {
  func.func @k(%arg0: i32, %arg1: i32, %arg2: memref<270000x128xf32, #tpu.memory_space<hbm>>, %arg3: memref<323584xi32, #tpu.memory_space<hbm>>, %arg4: memref<323584xi32, #tpu.memory_space<hbm>>, %arg5: memref<2x10240x128xf32, #tpu.memory_space<hbm>>, %arg6: memref<128xi32, #tpu.memory_space<vmem>>, %arg7: memref<128xi32, #tpu.memory_space<vmem>>, %arg8: memref<128x128xf32, #tpu.memory_space<vmem>>, %arg9: memref<128x128xf32, #tpu.memory_space<vmem>>, %arg10: memref<10240x128xf32, #tpu.memory_space<vmem_shared>>, %arg11: memref<!tpu.dma_semaphore, #tpu.memory_space<semaphore_mem>>) attributes {dimension_semantics = [#tpu.dimension_semantics<core_parallel>, #tpu.dimension_semantics<subcore_parallel>], iteration_bounds = array<i64: 2, 16>, scalar_prefetch = 0 : i64, scratch_operands = 6 : i64, tpu.core_type = #tpu.core_type<sc_vector_subcore>, window_params = [{transform_indices = #map}, {transform_indices = #map1}, {transform_indices = #map1}, {transform_indices = #map2}]} {
    %mul3A = arith.constant 2 : i32
    %mul3A_0 = arith.muli %arg1, %mul3A : i32
    %add3A = arith.addi %mul3A_0, %arg0 : i32
    %scan3A = arith.constant 0 : i32
    %scan3A_1 = arith.constant 0 : i32
    %scan3A_2 = arith.constant 128 : i32
    %scan3A_3 = arith.addi %scan3A_1, %scan3A_2 : i32
    %scan3A_4 = arith.constant 1 : i32
    scf.for %scan3A_27 = %scan3A_1 to %scan3A_3 step %scan3A_4  : i32 {
      %broadcast_in_dim3A = arith.constant 0.000000e+00 : f32
      %broadcast_in_dim3A_28 = vector.broadcast %broadcast_in_dim3A : f32 to vector<16xf32>
      %swap3A = arith.index_cast %scan3A_27 : i32 to index
      %swap3A_29 = arith.constant 0 : index
      %swap3A_30 = tpu.vector_load %arg9[%swap3A, %swap3A_29] {strides = array<i32>} : memref<128x128xf32, #tpu.memory_space<vmem>>, vector<1x16xf32>,
      %swap3A_31 = vector.shape_cast %swap3A_30 : vector<1x16xf32> to vector<16xf32>
      %swap3A_32 = vector.shape_cast %broadcast_in_dim3A_28 : vector<16xf32> to vector<1x16xf32>
      tpu.vector_store %arg9[%swap3A, %swap3A_29], %swap3A_32 {strides = array<i32>} : memref<128x128xf32, #tpu.memory_space<vmem>>, vector<1x16xf32>,
      %broadcast_in_dim3A_33 = arith.constant 0.000000e+00 : f32
      %broadcast_in_dim3A_34 = vector.broadcast %broadcast_in_dim3A_33 : f32 to vector<16xf32>
      %swap3A_35 = arith.index_cast %scan3A_27 : i32 to index
      %swap3A_36 = arith.constant 16 : index
      %swap3A_37 = tpu.vector_load %arg9[%swap3A_35, %swap3A_36] {strides = array<i32>} : memref<128x128xf32, #tpu.memory_space<vmem>>, vector<1x16xf32>,
      %swap3A_38 = vector.shape_cast %swap3A_37 : vector<1x16xf32> to vector<16xf32>
      %swap3A_39 = vector.shape_cast %broadcast_in_dim3A_34 : vector<16xf32> to vector<1x16xf32>
      tpu.vector_store %arg9[%swap3A_35, %swap3A_36], %swap3A_39 {strides = array<i32>} : memref<128x128xf32, #tpu.memory_space<vmem>>, vector<1x16xf32>,
      %broadcast_in_dim3A_40 = arith.constant 0.000000e+00 : f32
      %broadcast_in_dim3A_41 = vector.broadcast %broadcast_in_dim3A_40 : f32 to vector<16xf32>
      %swap3A_42 = arith.index_cast %scan3A_27 : i32 to index
      %swap3A_43 = arith.constant 32 : index
      %swap3A_44 = tpu.vector_load %arg9[%swap3A_42, %swap3A_43] {strides = array<i32>} : memref<128x128xf32, #tpu.memory_space<vmem>>, vector<1x16xf32>,
      %swap3A_45 = vector.shape_cast %swap3A_44 : vector<1x16xf32> to vector<16xf32>
      %swap3A_46 = vector.shape_cast %broadcast_in_dim3A_41 : vector<16xf32> to vector<1x16xf32>
      tpu.vector_store %arg9[%swap3A_42, %swap3A_43], %swap3A_46 {strides = array<i32>} : memref<128x128xf32, #tpu.memory_space<vmem>>, vector<1x16xf32>,
      %broadcast_in_dim3A_47 = arith.constant 0.000000e+00 : f32
      %broadcast_in_dim3A_48 = vector.broadcast %broadcast_in_dim3A_47 : f32 to vector<16xf32>
      %swap3A_49 = arith.index_cast %scan3A_27 : i32 to index
      %swap3A_50 = arith.constant 48 : index
      %swap3A_51 = tpu.vector_load %arg9[%swap3A_49, %swap3A_50] {strides = array<i32>} : memref<128x128xf32, #tpu.memory_space<vmem>>, vector<1x16xf32>,
      %swap3A_52 = vector.shape_cast %swap3A_51 : vector<1x16xf32> to vector<16xf32>
      %swap3A_53 = vector.shape_cast %broadcast_in_dim3A_48 : vector<16xf32> to vector<1x16xf32>
      tpu.vector_store %arg9[%swap3A_49, %swap3A_50], %swap3A_53 {strides = array<i32>} : memref<128x128xf32, #tpu.memory_space<vmem>>, vector<1x16xf32>,
      %broadcast_in_dim3A_54 = arith.constant 0.000000e+00 : f32
      %broadcast_in_dim3A_55 = vector.broadcast %broadcast_in_dim3A_54 : f32 to vector<16xf32>
      %swap3A_56 = arith.index_cast %scan3A_27 : i32 to index
      %swap3A_57 = arith.constant 64 : index
      %swap3A_58 = tpu.vector_load %arg9[%swap3A_56, %swap3A_57] {strides = array<i32>} : memref<128x128xf32, #tpu.memory_space<vmem>>, vector<1x16xf32>,
      %swap3A_59 = vector.shape_cast %swap3A_58 : vector<1x16xf32> to vector<16xf32>
      %swap3A_60 = vector.shape_cast %broadcast_in_dim3A_55 : vector<16xf32> to vector<1x16xf32>
      tpu.vector_store %arg9[%swap3A_56, %swap3A_57], %swap3A_60 {strides = array<i32>} : memref<128x128xf32, #tpu.memory_space<vmem>>, vector<1x16xf32>,
      %broadcast_in_dim3A_61 = arith.constant 0.000000e+00 : f32
      %broadcast_in_dim3A_62 = vector.broadcast %broadcast_in_dim3A_61 : f32 to vector<16xf32>
      %swap3A_63 = arith.index_cast %scan3A_27 : i32 to index
      %swap3A_64 = arith.constant 80 : index
      %swap3A_65 = tpu.vector_load %arg9[%swap3A_63, %swap3A_64] {strides = array<i32>} : memref<128x128xf32, #tpu.memory_space<vmem>>, vector<1x16xf32>,
      %swap3A_66 = vector.shape_cast %swap3A_65 : vector<1x16xf32> to vector<16xf32>
      %swap3A_67 = vector.shape_cast %broadcast_in_dim3A_62 : vector<16xf32> to vector<1x16xf32>
      tpu.vector_store %arg9[%swap3A_63, %swap3A_64], %swap3A_67 {strides = array<i32>} : memref<128x128xf32, #tpu.memory_space<vmem>>, vector<1x16xf32>,
      %broadcast_in_dim3A_68 = arith.constant 0.000000e+00 : f32
      %broadcast_in_dim3A_69 = vector.broadcast %broadcast_in_dim3A_68 : f32 to vector<16xf32>
      %swap3A_70 = arith.index_cast %scan3A_27 : i32 to index
      %swap3A_71 = arith.constant 96 : index
      %swap3A_72 = tpu.vector_load %arg9[%swap3A_70, %swap3A_71] {strides = array<i32>} : memref<128x128xf32, #tpu.memory_space<vmem>>, vector<1x16xf32>,
      %swap3A_73 = vector.shape_cast %swap3A_72 : vector<1x16xf32> to vector<16xf32>
      %swap3A_74 = vector.shape_cast %broadcast_in_dim3A_69 : vector<16xf32> to vector<1x16xf32>
      tpu.vector_store %arg9[%swap3A_70, %swap3A_71], %swap3A_74 {strides = array<i32>} : memref<128x128xf32, #tpu.memory_space<vmem>>, vector<1x16xf32>,
      %broadcast_in_dim3A_75 = arith.constant 0.000000e+00 : f32
      %broadcast_in_dim3A_76 = vector.broadcast %broadcast_in_dim3A_75 : f32 to vector<16xf32>
      %swap3A_77 = arith.index_cast %scan3A_27 : i32 to index
      %swap3A_78 = arith.constant 112 : index
      %swap3A_79 = tpu.vector_load %arg9[%swap3A_77, %swap3A_78] {strides = array<i32>} : memref<128x128xf32, #tpu.memory_space<vmem>>, vector<1x16xf32>,
      %swap3A_80 = vector.shape_cast %swap3A_79 : vector<1x16xf32> to vector<16xf32>
      %swap3A_81 = vector.shape_cast %broadcast_in_dim3A_76 : vector<16xf32> to vector<1x16xf32>
      tpu.vector_store %arg9[%swap3A_77, %swap3A_78], %swap3A_81 {strides = array<i32>} : memref<128x128xf32, #tpu.memory_space<vmem>>, vector<1x16xf32>,
    }
    %scan3A_5 = arith.constant 128 : i32
    %mul3A_6 = arith.constant 640 : i32
    %mul3A_7 = arith.muli %arg1, %mul3A_6 : i32
    %add3A_8 = arith.constant 0 : i32
    %add3A_9 = arith.addi %mul3A_7, %add3A_8 : i32
    "tpu.region"() ({
      %run_scoped3A = tpu.sem_alloc : memref<!tpu.dma_semaphore, #tpu.memory_space<semaphore_mem>>
      %dma_start3A = arith.constant 0 : i32
      %dma_start3A_27 = tpu.memref_slice %arg10[%add3A_9, %dma_start3A] : memref<10240x128xf32, #tpu.memory_space<vmem_shared>> -> memref<128x128xf32, #tpu.memory_space<vmem_shared>>
      %dma_start3A_28 = arith.constant 0 : i32
      %dma_start3A_29 = tpu.memref_slice %arg10[%add3A_9, %dma_start3A_28] : memref<10240x128xf32, #tpu.memory_space<vmem_shared>> -> memref<128x128xf32, #tpu.memory_space<vmem_shared>>
      tpu.enqueue_dma source(%arg9 : memref<128x128xf32, #tpu.memory_space<vmem>>) target(%dma_start3A_29 : memref<128x128xf32, #tpu.memory_space<vmem_shared>>) target_semaphore(%run_scoped3A : memref<!tpu.dma_semaphore, #tpu.memory_space<semaphore_mem>>)
      %dma_wait3A = arith.constant 0 : i32
      %dma_wait3A_30 = tpu.memref_slice %arg10[%add3A_9, %dma_wait3A] : memref<10240x128xf32, #tpu.memory_space<vmem_shared>> -> memref<128x128xf32, #tpu.memory_space<vmem_shared>>
      %dma_wait3A_31 = arith.constant 0 : i32
      %dma_wait3A_32 = tpu.memref_slice %arg10[%add3A_9, %dma_wait3A_31] : memref<10240x128xf32, #tpu.memory_space<vmem_shared>> -> memref<128x128xf32, #tpu.memory_space<vmem_shared>>
      tpu.wait_dma2 semaphore(%run_scoped3A : memref<!tpu.dma_semaphore, #tpu.memory_space<semaphore_mem>>) src(%arg9 : memref<128x128xf32, #tpu.memory_space<vmem>>) dst(%dma_wait3A_32 : memref<128x128xf32, #tpu.memory_space<vmem_shared>>)
      tpu.yield
    }) : () -> ()
    %add3A_10 = arith.constant 128 : i32
    %add3A_11 = arith.addi %mul3A_7, %add3A_10 : i32
    "tpu.region"() ({
      %run_scoped3A = tpu.sem_alloc : memref<!tpu.dma_semaphore, #tpu.memory_space<semaphore_mem>>
      %dma_start3A = arith.constant 0 : i32
      %dma_start3A_27 = tpu.memref_slice %arg10[%add3A_11, %dma_start3A] : memref<10240x128xf32, #tpu.memory_space<vmem_shared>> -> memref<128x128xf32, #tpu.memory_space<vmem_shared>>
      %dma_start3A_28 = arith.constant 0 : i32
      %dma_start3A_29 = tpu.memref_slice %arg10[%add3A_11, %dma_start3A_28] : memref<10240x128xf32, #tpu.memory_space<vmem_shared>> -> memref<128x128xf32, #tpu.memory_space<vmem_shared>>
      tpu.enqueue_dma source(%arg9 : memref<128x128xf32, #tpu.memory_space<vmem>>) target(%dma_start3A_29 : memref<128x128xf32, #tpu.memory_space<vmem_shared>>) target_semaphore(%run_scoped3A : memref<!tpu.dma_semaphore, #tpu.memory_space<semaphore_mem>>)
      %dma_wait3A = arith.constant 0 : i32
      %dma_wait3A_30 = tpu.memref_slice %arg10[%add3A_11, %dma_wait3A] : memref<10240x128xf32, #tpu.memory_space<vmem_shared>> -> memref<128x128xf32, #tpu.memory_space<vmem_shared>>
      %dma_wait3A_31 = arith.constant 0 : i32
      %dma_wait3A_32 = tpu.memref_slice %arg10[%add3A_11, %dma_wait3A_31] : memref<10240x128xf32, #tpu.memory_space<vmem_shared>> -> memref<128x128xf32, #tpu.memory_space<vmem_shared>>
      tpu.wait_dma2 semaphore(%run_scoped3A : memref<!tpu.dma_semaphore, #tpu.memory_space<semaphore_mem>>) src(%arg9 : memref<128x128xf32, #tpu.memory_space<vmem>>) dst(%dma_wait3A_32 : memref<128x128xf32, #tpu.memory_space<vmem_shared>>)
      tpu.yield
    }) : () -> ()
    %add3A_12 = arith.constant 256 : i32
    %add3A_13 = arith.addi %mul3A_7, %add3A_12 : i32
    "tpu.region"() ({
      %run_scoped3A = tpu.sem_alloc : memref<!tpu.dma_semaphore, #tpu.memory_space<semaphore_mem>>
      %dma_start3A = arith.constant 0 : i32
      %dma_start3A_27 = tpu.memref_slice %arg10[%add3A_13, %dma_start3A] : memref<10240x128xf32, #tpu.memory_space<vmem_shared>> -> memref<128x128xf32, #tpu.memory_space<vmem_shared>>
      %dma_start3A_28 = arith.constant 0 : i32
      %dma_start3A_29 = tpu.memref_slice %arg10[%add3A_13, %dma_start3A_28] : memref<10240x128xf32, #tpu.memory_space<vmem_shared>> -> memref<128x128xf32, #tpu.memory_space<vmem_shared>>
      tpu.enqueue_dma source(%arg9 : memref<128x128xf32, #tpu.memory_space<vmem>>) target(%dma_start3A_29 : memref<128x128xf32, #tpu.memory_space<vmem_shared>>) target_semaphore(%run_scoped3A : memref<!tpu.dma_semaphore, #tpu.memory_space<semaphore_mem>>)
      %dma_wait3A = arith.constant 0 : i32
      %dma_wait3A_30 = tpu.memref_slice %arg10[%add3A_13, %dma_wait3A] : memref<10240x128xf32, #tpu.memory_space<vmem_shared>> -> memref<128x128xf32, #tpu.memory_space<vmem_shared>>
      %dma_wait3A_31 = arith.constant 0 : i32
      %dma_wait3A_32 = tpu.memref_slice %arg10[%add3A_13, %dma_wait3A_31] : memref<10240x128xf32, #tpu.memory_space<vmem_shared>> -> memref<128x128xf32, #tpu.memory_space<vmem_shared>>
      tpu.wait_dma2 semaphore(%run_scoped3A : memref<!tpu.dma_semaphore, #tpu.memory_space<semaphore_mem>>) src(%arg9 : memref<128x128xf32, #tpu.memory_space<vmem>>) dst(%dma_wait3A_32 : memref<128x128xf32, #tpu.memory_space<vmem_shared>>)
      tpu.yield
    }) : () -> ()
    %add3A_14 = arith.constant 384 : i32
    %add3A_15 = arith.addi %mul3A_7, %add3A_14 : i32
    "tpu.region"() ({
      %run_scoped3A = tpu.sem_alloc : memref<!tpu.dma_semaphore, #tpu.memory_space<semaphore_mem>>
      %dma_start3A = arith.constant 0 : i32
      %dma_start3A_27 = tpu.memref_slice %arg10[%add3A_15, %dma_start3A] : memref<10240x128xf32, #tpu.memory_space<vmem_shared>> -> memref<128x128xf32, #tpu.memory_space<vmem_shared>>
      %dma_start3A_28 = arith.constant 0 : i32
      %dma_start3A_29 = tpu.memref_slice %arg10[%add3A_15, %dma_start3A_28] : memref<10240x128xf32, #tpu.memory_space<vmem_shared>> -> memref<128x128xf32, #tpu.memory_space<vmem_shared>>
      tpu.enqueue_dma source(%arg9 : memref<128x128xf32, #tpu.memory_space<vmem>>) target(%dma_start3A_29 : memref<128x128xf32, #tpu.memory_space<vmem_shared>>) target_semaphore(%run_scoped3A : memref<!tpu.dma_semaphore, #tpu.memory_space<semaphore_mem>>)
      %dma_wait3A = arith.constant 0 : i32
      %dma_wait3A_30 = tpu.memref_slice %arg10[%add3A_15, %dma_wait3A] : memref<10240x128xf32, #tpu.memory_space<vmem_shared>> -> memref<128x128xf32, #tpu.memory_space<vmem_shared>>
      %dma_wait3A_31 = arith.constant 0 : i32
      %dma_wait3A_32 = tpu.memref_slice %arg10[%add3A_15, %dma_wait3A_31] : memref<10240x128xf32, #tpu.memory_space<vmem_shared>> -> memref<128x128xf32, #tpu.memory_space<vmem_shared>>
      tpu.wait_dma2 semaphore(%run_scoped3A : memref<!tpu.dma_semaphore, #tpu.memory_space<semaphore_mem>>) src(%arg9 : memref<128x128xf32, #tpu.memory_space<vmem>>) dst(%dma_wait3A_32 : memref<128x128xf32, #tpu.memory_space<vmem_shared>>)
      tpu.yield
    }) : () -> ()
    %add3A_16 = arith.constant 512 : i32
    %add3A_17 = arith.addi %mul3A_7, %add3A_16 : i32
    "tpu.region"() ({
      %run_scoped3A = tpu.sem_alloc : memref<!tpu.dma_semaphore, #tpu.memory_space<semaphore_mem>>
      %dma_start3A = arith.constant 0 : i32
      %dma_start3A_27 = tpu.memref_slice %arg10[%add3A_17, %dma_start3A] : memref<10240x128xf32, #tpu.memory_space<vmem_shared>> -> memref<128x128xf32, #tpu.memory_space<vmem_shared>>
      %dma_start3A_28 = arith.constant 0 : i32
      %dma_start3A_29 = tpu.memref_slice %arg10[%add3A_17, %dma_start3A_28] : memref<10240x128xf32, #tpu.memory_space<vmem_shared>> -> memref<128x128xf32, #tpu.memory_space<vmem_shared>>
      tpu.enqueue_dma source(%arg9 : memref<128x128xf32, #tpu.memory_space<vmem>>) target(%dma_start3A_29 : memref<128x128xf32, #tpu.memory_space<vmem_shared>>) target_semaphore(%run_scoped3A : memref<!tpu.dma_semaphore, #tpu.memory_space<semaphore_mem>>)
      %dma_wait3A = arith.constant 0 : i32
      %dma_wait3A_30 = tpu.memref_slice %arg10[%add3A_17, %dma_wait3A] : memref<10240x128xf32, #tpu.memory_space<vmem_shared>> -> memref<128x128xf32, #tpu.memory_space<vmem_shared>>
      %dma_wait3A_31 = arith.constant 0 : i32
      %dma_wait3A_32 = tpu.memref_slice %arg10[%add3A_17, %dma_wait3A_31] : memref<10240x128xf32, #tpu.memory_space<vmem_shared>> -> memref<128x128xf32, #tpu.memory_space<vmem_shared>>
      tpu.wait_dma2 semaphore(%run_scoped3A : memref<!tpu.dma_semaphore, #tpu.memory_space<semaphore_mem>>) src(%arg9 : memref<128x128xf32, #tpu.memory_space<vmem>>) dst(%dma_wait3A_32 : memref<128x128xf32, #tpu.memory_space<vmem_shared>>)
      tpu.yield
    }) : () -> ()
    %barrier3A = arith.constant 0 : index
    tpu.barrier barrier_id(%barrier3A)
    %mul3A_18 = arith.constant 10112 : i32
    %mul3A_19 = arith.muli %add3A, %mul3A_18 : i32
    %scan3A_20 = arith.constant 0 : i32
    %scan3A_21 = arith.constant 0 : i32
    %scan3A_22 = arith.constant 79 : i32
    %scan3A_23 = arith.addi %scan3A_21, %scan3A_22 : i32
    %scan3A_24 = arith.constant 1 : i32
    scf.for %scan3A_27 = %scan3A_21 to %scan3A_23 step %scan3A_24  : i32 {
      %mul3A_28 = arith.constant 128 : i32
      %mul3A_29 = arith.muli %scan3A_27, %mul3A_28 : i32
      %add3A_30 = arith.addi %mul3A_19, %mul3A_29 : i32
      %multiple_of3A = tpu.assume_multiple %add3A_30, 128 : i32
      "tpu.region"() ({
        %run_scoped3A = tpu.sem_alloc : memref<!tpu.dma_semaphore, #tpu.memory_space<semaphore_mem>>
        %dma_start3A_35 = tpu.memref_slice %arg3[%multiple_of3A] : memref<323584xi32, #tpu.memory_space<hbm>> -> memref<128xi32, #tpu.memory_space<hbm>>
        %dma_start3A_36 = tpu.memref_slice %arg3[%multiple_of3A] : memref<323584xi32, #tpu.memory_space<hbm>> -> memref<128xi32, #tpu.memory_space<hbm>>
        tpu.enqueue_dma source(%dma_start3A_36 : memref<128xi32, #tpu.memory_space<hbm>>) target(%arg6 : memref<128xi32, #tpu.memory_space<vmem>>) target_semaphore(%run_scoped3A : memref<!tpu.dma_semaphore, #tpu.memory_space<semaphore_mem>>)
        %dma_wait3A_37 = tpu.memref_slice %arg3[%multiple_of3A] : memref<323584xi32, #tpu.memory_space<hbm>> -> memref<128xi32, #tpu.memory_space<hbm>>
        %dma_wait3A_38 = tpu.memref_slice %arg3[%multiple_of3A] : memref<323584xi32, #tpu.memory_space<hbm>> -> memref<128xi32, #tpu.memory_space<hbm>>
        tpu.wait_dma2 semaphore(%run_scoped3A : memref<!tpu.dma_semaphore, #tpu.memory_space<semaphore_mem>>) src(%dma_wait3A_38 : memref<128xi32, #tpu.memory_space<hbm>>) dst(%arg6 : memref<128xi32, #tpu.memory_space<vmem>>)
        tpu.yield
      }) : () -> ()
      "tpu.region"() ({
        %run_scoped3A = tpu.sem_alloc : memref<!tpu.dma_semaphore, #tpu.memory_space<semaphore_mem>>
        %dma_start3A_35 = tpu.memref_slice %arg4[%multiple_of3A] : memref<323584xi32, #tpu.memory_space<hbm>> -> memref<128xi32, #tpu.memory_space<hbm>>
        %dma_start3A_36 = tpu.memref_slice %arg4[%multiple_of3A] : memref<323584xi32, #tpu.memory_space<hbm>> -> memref<128xi32, #tpu.memory_space<hbm>>
        tpu.enqueue_dma source(%dma_start3A_36 : memref<128xi32, #tpu.memory_space<hbm>>) target(%arg7 : memref<128xi32, #tpu.memory_space<vmem>>) target_semaphore(%run_scoped3A : memref<!tpu.dma_semaphore, #tpu.memory_space<semaphore_mem>>)
        %dma_wait3A_37 = tpu.memref_slice %arg4[%multiple_of3A] : memref<323584xi32, #tpu.memory_space<hbm>> -> memref<128xi32, #tpu.memory_space<hbm>>
        %dma_wait3A_38 = tpu.memref_slice %arg4[%multiple_of3A] : memref<323584xi32, #tpu.memory_space<hbm>> -> memref<128xi32, #tpu.memory_space<hbm>>
        tpu.wait_dma2 semaphore(%run_scoped3A : memref<!tpu.dma_semaphore, #tpu.memory_space<semaphore_mem>>) src(%dma_wait3A_38 : memref<128xi32, #tpu.memory_space<hbm>>) dst(%arg7 : memref<128xi32, #tpu.memory_space<vmem>>)
        tpu.yield
      }) : () -> ()
      %dma_start3A = arith.constant 0 : i32
      %dma_start3A_31 = arith.constant 0 : i32
      %dma_start3A_32 = tpu.memref_slice %arg2[%dma_start3A, %dma_start3A_31] : memref<270000x128xf32, #tpu.memory_space<hbm>> -> memref<270000x128xf32, #tpu.memory_space<hbm>>
      tpu.enqueue_indirect_dma source(%dma_start3A_32 : memref<270000x128xf32, #tpu.memory_space<hbm>>) target(%arg8 : memref<128x128xf32, #tpu.memory_space<vmem>>) offsets(%arg6 : memref<128xi32, #tpu.memory_space<vmem>>) semaphore(%arg11 : memref<!tpu.dma_semaphore, #tpu.memory_space<semaphore_mem>>)
      %dma_wait3A = arith.constant 0 : i32
      %dma_wait3A_33 = arith.constant 0 : i32
      %dma_wait3A_34 = tpu.memref_slice %arg2[%dma_wait3A, %dma_wait3A_33] : memref<270000x128xf32, #tpu.memory_space<hbm>> -> memref<270000x128xf32, #tpu.memory_space<hbm>>
      tpu.wait_indirect_dma semaphore(%arg11 : memref<!tpu.dma_semaphore, #tpu.memory_space<semaphore_mem>>) src(%dma_wait3A_34 : memref<270000x128xf32, #tpu.memory_space<hbm>>) dst(%arg8 : memref<128x128xf32, #tpu.memory_space<vmem>>)
      "tpu.region"() ({
        %run_scoped3A = tpu.sem_alloc : memref<!tpu.dma_semaphore, #tpu.memory_space<semaphore_mem>>
        %dma_start3A_35 = arith.constant 0 : i32
        %dma_start3A_36 = arith.constant 0 : i32
        %dma_start3A_37 = tpu.memref_slice %arg10[%dma_start3A_35, %dma_start3A_36] : memref<10240x128xf32, #tpu.memory_space<vmem_shared>> -> memref<10240x128xf32, #tpu.memory_space<vmem_shared>>
        tpu.enqueue_indirect_dma source(%arg8 : memref<128x128xf32, #tpu.memory_space<vmem>>) target(%dma_start3A_37 : memref<10240x128xf32, #tpu.memory_space<vmem_shared>>) offsets(%arg7 : memref<128xi32, #tpu.memory_space<vmem>>) semaphore(%run_scoped3A : memref<!tpu.dma_semaphore, #tpu.memory_space<semaphore_mem>>) {add = true}
        %dma_wait3A_38 = arith.constant 0 : i32
        %dma_wait3A_39 = arith.constant 0 : i32
        %dma_wait3A_40 = tpu.memref_slice %arg10[%dma_wait3A_38, %dma_wait3A_39] : memref<10240x128xf32, #tpu.memory_space<vmem_shared>> -> memref<10240x128xf32, #tpu.memory_space<vmem_shared>>
        tpu.wait_indirect_dma semaphore(%run_scoped3A : memref<!tpu.dma_semaphore, #tpu.memory_space<semaphore_mem>>) src(%arg8 : memref<128x128xf32, #tpu.memory_space<vmem>>) dst(%dma_wait3A_40 : memref<10240x128xf32, #tpu.memory_space<vmem_shared>>)
        tpu.yield
      }) : () -> ()
    }
    %scan3A_25 = arith.constant 79 : i32
    %barrier3A_26 = arith.constant 0 : index
    tpu.barrier barrier_id(%barrier3A_26)
    "tpu.region"() ({
      %run_scoped3A = tpu.sem_alloc : memref<!tpu.dma_semaphore, #tpu.memory_space<semaphore_mem>>
      %dma_start3A = arith.constant 0 : i32
      %dma_start3A_27 = tpu.memref_slice %arg5[%arg0, %mul3A_7, %dma_start3A] : memref<2x10240x128xf32, #tpu.memory_space<hbm>> -> memref<1x640x128xf32, #tpu.memory_space<hbm>>
      %dma_start3A_28 = tpu.memref_squeeze %dma_start3A_27 : memref<1x640x128xf32, #tpu.memory_space<hbm>> -> memref<640x128xf32, #tpu.memory_space<hbm>>
      %dma_start3A_29 = arith.constant 0 : i32
      %dma_start3A_30 = tpu.memref_slice %arg10[%mul3A_7, %dma_start3A_29] : memref<10240x128xf32, #tpu.memory_space<vmem_shared>> -> memref<640x128xf32, #tpu.memory_space<vmem_shared>>
      tpu.enqueue_dma source(%dma_start3A_30 : memref<640x128xf32, #tpu.memory_space<vmem_shared>>) target(%dma_start3A_28 : memref<640x128xf32, #tpu.memory_space<hbm>>) target_semaphore(%run_scoped3A : memref<!tpu.dma_semaphore, #tpu.memory_space<semaphore_mem>>)
      %dma_wait3A = arith.constant 0 : i32
      %dma_wait3A_31 = tpu.memref_slice %arg5[%arg0, %mul3A_7, %dma_wait3A] : memref<2x10240x128xf32, #tpu.memory_space<hbm>> -> memref<1x640x128xf32, #tpu.memory_space<hbm>>
      %dma_wait3A_32 = tpu.memref_squeeze %dma_wait3A_31 : memref<1x640x128xf32, #tpu.memory_space<hbm>> -> memref<640x128xf32, #tpu.memory_space<hbm>>
      %dma_wait3A_33 = arith.constant 0 : i32
      %dma_wait3A_34 = tpu.memref_slice %arg10[%mul3A_7, %dma_wait3A_33] : memref<10240x128xf32, #tpu.memory_space<vmem_shared>> -> memref<640x128xf32, #tpu.memory_space<vmem_shared>>
      tpu.wait_dma2 semaphore(%run_scoped3A : memref<!tpu.dma_semaphore, #tpu.memory_space<semaphore_mem>>) src(%dma_wait3A_34 : memref<640x128xf32, #tpu.memory_space<vmem_shared>>) dst(%dma_wait3A_32 : memref<640x128xf32, #tpu.memory_space<hbm>>)
      tpu.yield
    }) : () -> ()
    return
  }
}

#map = affine_map<(d0, d1) -> (0, 0)>
#map1 = affine_map<(d0, d1) -> (0)>
#map2 = affine_map<(d0, d1) -> (0, 0, 0)>
module attributes {stable_mosaic.version = 14 : i64} {
  func.func @k(%arg0: i32, %arg1: i32, %arg2: memref<270000x128xf32, #tpu.memory_space<hbm>>, %arg3: memref<323584xi32, #tpu.memory_space<hbm>>, %arg4: memref<323584xi32, #tpu.memory_space<hbm>>, %arg5: memref<2x10240x128xf32, #tpu.memory_space<hbm>>, %arg6: memref<128xi32, #tpu.memory_space<vmem>>, %arg7: memref<128xi32, #tpu.memory_space<vmem>>, %arg8: memref<128x128xf32, #tpu.memory_space<vmem>>, %arg9: memref<128x128xf32, #tpu.memory_space<vmem>>, %arg10: memref<10240x128xf32, #tpu.memory_space<vmem_shared>>, %arg11: memref<!tpu.dma_semaphore, #tpu.memory_space<semaphore_mem>>) attributes {dimension_semantics = [#tpu.dimension_semantics<core_parallel>, #tpu.dimension_semantics<subcore_parallel>], iteration_bounds = array<i64: 2, 16>, scalar_prefetch = 0 : i64, scratch_operands = 6 : i64, tpu.core_type = #tpu.core_type<sc_vector_subcore>, window_params = [{transform_indices = #map}, {transform_indices = #map1}, {transform_indices = #map1}, {transform_indices = #map2}]} {
    %mul3A = arith.constant 2 : i32
    %mul3A_0 = arith.muli %arg1, %mul3A : i32
    %add3A = arith.addi %mul3A_0, %arg0 : i32
    %scan3A = arith.constant 0 : i32
    %scan3A_1 = arith.constant 0 : i32
    %scan3A_2 = arith.constant 128 : i32
    %scan3A_3 = arith.addi %scan3A_1, %scan3A_2 : i32
    %scan3A_4 = arith.constant 1 : i32
    scf.for %scan3A_27 = %scan3A_1 to %scan3A_3 step %scan3A_4  : i32 {
      %broadcast_in_dim3A = arith.constant 0.000000e+00 : f32
      %broadcast_in_dim3A_28 = vector.broadcast %broadcast_in_dim3A : f32 to vector<16xf32>
      %swap3A = arith.index_cast %scan3A_27 : i32 to index
      %swap3A_29 = arith.constant 0 : index
      %swap3A_30 = tpu.vector_load %arg9[%swap3A, %swap3A_29] {strides = array<i32>} : memref<128x128xf32, #tpu.memory_space<vmem>>, vector<1x16xf32>,
      %swap3A_31 = vector.shape_cast %swap3A_30 : vector<1x16xf32> to vector<16xf32>
      %swap3A_32 = vector.shape_cast %broadcast_in_dim3A_28 : vector<16xf32> to vector<1x16xf32>
      tpu.vector_store %arg9[%swap3A, %swap3A_29], %swap3A_32 {strides = array<i32>} : memref<128x128xf32, #tpu.memory_space<vmem>>, vector<1x16xf32>,
      %broadcast_in_dim3A_33 = arith.constant 0.000000e+00 : f32
      %broadcast_in_dim3A_34 = vector.broadcast %broadcast_in_dim3A_33 : f32 to vector<16xf32>
      %swap3A_35 = arith.index_cast %scan3A_27 : i32 to index
      %swap3A_36 = arith.constant 16 : index
      %swap3A_37 = tpu.vector_load %arg9[%swap3A_35, %swap3A_36] {strides = array<i32>} : memref<128x128xf32, #tpu.memory_space<vmem>>, vector<1x16xf32>,
      %swap3A_38 = vector.shape_cast %swap3A_37 : vector<1x16xf32> to vector<16xf32>
      %swap3A_39 = vector.shape_cast %broadcast_in_dim3A_34 : vector<16xf32> to vector<1x16xf32>
      tpu.vector_store %arg9[%swap3A_35, %swap3A_36], %swap3A_39 {strides = array<i32>} : memref<128x128xf32, #tpu.memory_space<vmem>>, vector<1x16xf32>,
      %broadcast_in_dim3A_40 = arith.constant 0.000000e+00 : f32
      %broadcast_in_dim3A_41 = vector.broadcast %broadcast_in_dim3A_40 : f32 to vector<16xf32>
      %swap3A_42 = arith.index_cast %scan3A_27 : i32 to index
      %swap3A_43 = arith.constant 32 : index
      %swap3A_44 = tpu.vector_load %arg9[%swap3A_42, %swap3A_43] {strides = array<i32>} : memref<128x128xf32, #tpu.memory_space<vmem>>, vector<1x16xf32>,
      %swap3A_45 = vector.shape_cast %swap3A_44 : vector<1x16xf32> to vector<16xf32>
      %swap3A_46 = vector.shape_cast %broadcast_in_dim3A_41 : vector<16xf32> to vector<1x16xf32>
      tpu.vector_store %arg9[%swap3A_42, %swap3A_43], %swap3A_46 {strides = array<i32>} : memref<128x128xf32, #tpu.memory_space<vmem>>, vector<1x16xf32>,
      %broadcast_in_dim3A_47 = arith.constant 0.000000e+00 : f32
      %broadcast_in_dim3A_48 = vector.broadcast %broadcast_in_dim3A_47 : f32 to vector<16xf32>
      %swap3A_49 = arith.index_cast %scan3A_27 : i32 to index
      %swap3A_50 = arith.constant 48 : index
      %swap3A_51 = tpu.vector_load %arg9[%swap3A_49, %swap3A_50] {strides = array<i32>} : memref<128x128xf32, #tpu.memory_space<vmem>>, vector<1x16xf32>,
      %swap3A_52 = vector.shape_cast %swap3A_51 : vector<1x16xf32> to vector<16xf32>
      %swap3A_53 = vector.shape_cast %broadcast_in_dim3A_48 : vector<16xf32> to vector<1x16xf32>
      tpu.vector_store %arg9[%swap3A_49, %swap3A_50], %swap3A_53 {strides = array<i32>} : memref<128x128xf32, #tpu.memory_space<vmem>>, vector<1x16xf32>,
      %broadcast_in_dim3A_54 = arith.constant 0.000000e+00 : f32
      %broadcast_in_dim3A_55 = vector.broadcast %broadcast_in_dim3A_54 : f32 to vector<16xf32>
      %swap3A_56 = arith.index_cast %scan3A_27 : i32 to index
      %swap3A_57 = arith.constant 64 : index
      %swap3A_58 = tpu.vector_load %arg9[%swap3A_56, %swap3A_57] {strides = array<i32>} : memref<128x128xf32, #tpu.memory_space<vmem>>, vector<1x16xf32>,
      %swap3A_59 = vector.shape_cast %swap3A_58 : vector<1x16xf32> to vector<16xf32>
      %swap3A_60 = vector.shape_cast %broadcast_in_dim3A_55 : vector<16xf32> to vector<1x16xf32>
      tpu.vector_store %arg9[%swap3A_56, %swap3A_57], %swap3A_60 {strides = array<i32>} : memref<128x128xf32, #tpu.memory_space<vmem>>, vector<1x16xf32>,
      %broadcast_in_dim3A_61 = arith.constant 0.000000e+00 : f32
      %broadcast_in_dim3A_62 = vector.broadcast %broadcast_in_dim3A_61 : f32 to vector<16xf32>
      %swap3A_63 = arith.index_cast %scan3A_27 : i32 to index
      %swap3A_64 = arith.constant 80 : index
      %swap3A_65 = tpu.vector_load %arg9[%swap3A_63, %swap3A_64] {strides = array<i32>} : memref<128x128xf32, #tpu.memory_space<vmem>>, vector<1x16xf32>,
      %swap3A_66 = vector.shape_cast %swap3A_65 : vector<1x16xf32> to vector<16xf32>
      %swap3A_67 = vector.shape_cast %broadcast_in_dim3A_62 : vector<16xf32> to vector<1x16xf32>
      tpu.vector_store %arg9[%swap3A_63, %swap3A_64], %swap3A_67 {strides = array<i32>} : memref<128x128xf32, #tpu.memory_space<vmem>>, vector<1x16xf32>,
      %broadcast_in_dim3A_68 = arith.constant 0.000000e+00 : f32
      %broadcast_in_dim3A_69 = vector.broadcast %broadcast_in_dim3A_68 : f32 to vector<16xf32>
      %swap3A_70 = arith.index_cast %scan3A_27 : i32 to index
      %swap3A_71 = arith.constant 96 : index
      %swap3A_72 = tpu.vector_load %arg9[%swap3A_70, %swap3A_71] {strides = array<i32>} : memref<128x128xf32, #tpu.memory_space<vmem>>, vector<1x16xf32>,
      %swap3A_73 = vector.shape_cast %swap3A_72 : vector<1x16xf32> to vector<16xf32>
      %swap3A_74 = vector.shape_cast %broadcast_in_dim3A_69 : vector<16xf32> to vector<1x16xf32>
      tpu.vector_store %arg9[%swap3A_70, %swap3A_71], %swap3A_74 {strides = array<i32>} : memref<128x128xf32, #tpu.memory_space<vmem>>, vector<1x16xf32>,
      %broadcast_in_dim3A_75 = arith.constant 0.000000e+00 : f32
      %broadcast_in_dim3A_76 = vector.broadcast %broadcast_in_dim3A_75 : f32 to vector<16xf32>
      %swap3A_77 = arith.index_cast %scan3A_27 : i32 to index
      %swap3A_78 = arith.constant 112 : index
      %swap3A_79 = tpu.vector_load %arg9[%swap3A_77, %swap3A_78] {strides = array<i32>} : memref<128x128xf32, #tpu.memory_space<vmem>>, vector<1x16xf32>,
      %swap3A_80 = vector.shape_cast %swap3A_79 : vector<1x16xf32> to vector<16xf32>
      %swap3A_81 = vector.shape_cast %broadcast_in_dim3A_76 : vector<16xf32> to vector<1x16xf32>
      tpu.vector_store %arg9[%swap3A_77, %swap3A_78], %swap3A_81 {strides = array<i32>} : memref<128x128xf32, #tpu.memory_space<vmem>>, vector<1x16xf32>,
    }
    %scan3A_5 = arith.constant 128 : i32
    %mul3A_6 = arith.constant 640 : i32
    %mul3A_7 = arith.muli %arg1, %mul3A_6 : i32
    %add3A_8 = arith.constant 0 : i32
    %add3A_9 = arith.addi %mul3A_7, %add3A_8 : i32
    "tpu.region"() ({
      %run_scoped3A = tpu.sem_alloc : memref<!tpu.dma_semaphore, #tpu.memory_space<semaphore_mem>>
      %dma_start3A = arith.constant 0 : i32
      %dma_start3A_27 = tpu.memref_slice %arg10[%add3A_9, %dma_start3A] : memref<10240x128xf32, #tpu.memory_space<vmem_shared>> -> memref<128x128xf32, #tpu.memory_space<vmem_shared>>
      %dma_start3A_28 = arith.constant 0 : i32
      %dma_start3A_29 = tpu.memref_slice %arg10[%add3A_9, %dma_start3A_28] : memref<10240x128xf32, #tpu.memory_space<vmem_shared>> -> memref<128x128xf32, #tpu.memory_space<vmem_shared>>
      tpu.enqueue_dma source(%arg9 : memref<128x128xf32, #tpu.memory_space<vmem>>) target(%dma_start3A_29 : memref<128x128xf32, #tpu.memory_space<vmem_shared>>) target_semaphore(%run_scoped3A : memref<!tpu.dma_semaphore, #tpu.memory_space<semaphore_mem>>)
      %dma_wait3A = arith.constant 0 : i32
      %dma_wait3A_30 = tpu.memref_slice %arg10[%add3A_9, %dma_wait3A] : memref<10240x128xf32, #tpu.memory_space<vmem_shared>> -> memref<128x128xf32, #tpu.memory_space<vmem_shared>>
      %dma_wait3A_31 = arith.constant 0 : i32
      %dma_wait3A_32 = tpu.memref_slice %arg10[%add3A_9, %dma_wait3A_31] : memref<10240x128xf32, #tpu.memory_space<vmem_shared>> -> memref<128x128xf32, #tpu.memory_space<vmem_shared>>
      tpu.wait_dma2 semaphore(%run_scoped3A : memref<!tpu.dma_semaphore, #tpu.memory_space<semaphore_mem>>) src(%arg9 : memref<128x128xf32, #tpu.memory_space<vmem>>) dst(%dma_wait3A_32 : memref<128x128xf32, #tpu.memory_space<vmem_shared>>)
      tpu.yield
    }) : () -> ()
    %add3A_10 = arith.constant 128 : i32
    %add3A_11 = arith.addi %mul3A_7, %add3A_10 : i32
    "tpu.region"() ({
      %run_scoped3A = tpu.sem_alloc : memref<!tpu.dma_semaphore, #tpu.memory_space<semaphore_mem>>
      %dma_start3A = arith.constant 0 : i32
      %dma_start3A_27 = tpu.memref_slice %arg10[%add3A_11, %dma_start3A] : memref<10240x128xf32, #tpu.memory_space<vmem_shared>> -> memref<128x128xf32, #tpu.memory_space<vmem_shared>>
      %dma_start3A_28 = arith.constant 0 : i32
      %dma_start3A_29 = tpu.memref_slice %arg10[%add3A_11, %dma_start3A_28] : memref<10240x128xf32, #tpu.memory_space<vmem_shared>> -> memref<128x128xf32, #tpu.memory_space<vmem_shared>>
      tpu.enqueue_dma source(%arg9 : memref<128x128xf32, #tpu.memory_space<vmem>>) target(%dma_start3A_29 : memref<128x128xf32, #tpu.memory_space<vmem_shared>>) target_semaphore(%run_scoped3A : memref<!tpu.dma_semaphore, #tpu.memory_space<semaphore_mem>>)
      %dma_wait3A = arith.constant 0 : i32
      %dma_wait3A_30 = tpu.memref_slice %arg10[%add3A_11, %dma_wait3A] : memref<10240x128xf32, #tpu.memory_space<vmem_shared>> -> memref<128x128xf32, #tpu.memory_space<vmem_shared>>
      %dma_wait3A_31 = arith.constant 0 : i32
      %dma_wait3A_32 = tpu.memref_slice %arg10[%add3A_11, %dma_wait3A_31] : memref<10240x128xf32, #tpu.memory_space<vmem_shared>> -> memref<128x128xf32, #tpu.memory_space<vmem_shared>>
      tpu.wait_dma2 semaphore(%run_scoped3A : memref<!tpu.dma_semaphore, #tpu.memory_space<semaphore_mem>>) src(%arg9 : memref<128x128xf32, #tpu.memory_space<vmem>>) dst(%dma_wait3A_32 : memref<128x128xf32, #tpu.memory_space<vmem_shared>>)
      tpu.yield
    }) : () -> ()
    %add3A_12 = arith.constant 256 : i32
    %add3A_13 = arith.addi %mul3A_7, %add3A_12 : i32
    "tpu.region"() ({
      %run_scoped3A = tpu.sem_alloc : memref<!tpu.dma_semaphore, #tpu.memory_space<semaphore_mem>>
      %dma_start3A = arith.constant 0 : i32
      %dma_start3A_27 = tpu.memref_slice %arg10[%add3A_13, %dma_start3A] : memref<10240x128xf32, #tpu.memory_space<vmem_shared>> -> memref<128x128xf32, #tpu.memory_space<vmem_shared>>
      %dma_start3A_28 = arith.constant 0 : i32
      %dma_start3A_29 = tpu.memref_slice %arg10[%add3A_13, %dma_start3A_28] : memref<10240x128xf32, #tpu.memory_space<vmem_shared>> -> memref<128x128xf32, #tpu.memory_space<vmem_shared>>
      tpu.enqueue_dma source(%arg9 : memref<128x128xf32, #tpu.memory_space<vmem>>) target(%dma_start3A_29 : memref<128x128xf32, #tpu.memory_space<vmem_shared>>) target_semaphore(%run_scoped3A : memref<!tpu.dma_semaphore, #tpu.memory_space<semaphore_mem>>)
      %dma_wait3A = arith.constant 0 : i32
      %dma_wait3A_30 = tpu.memref_slice %arg10[%add3A_13, %dma_wait3A] : memref<10240x128xf32, #tpu.memory_space<vmem_shared>> -> memref<128x128xf32, #tpu.memory_space<vmem_shared>>
      %dma_wait3A_31 = arith.constant 0 : i32
      %dma_wait3A_32 = tpu.memref_slice %arg10[%add3A_13, %dma_wait3A_31] : memref<10240x128xf32, #tpu.memory_space<vmem_shared>> -> memref<128x128xf32, #tpu.memory_space<vmem_shared>>
      tpu.wait_dma2 semaphore(%run_scoped3A : memref<!tpu.dma_semaphore, #tpu.memory_space<semaphore_mem>>) src(%arg9 : memref<128x128xf32, #tpu.memory_space<vmem>>) dst(%dma_wait3A_32 : memref<128x128xf32, #tpu.memory_space<vmem_shared>>)
      tpu.yield
    }) : () -> ()
    %add3A_14 = arith.constant 384 : i32
    %add3A_15 = arith.addi %mul3A_7, %add3A_14 : i32
    "tpu.region"() ({
      %run_scoped3A = tpu.sem_alloc : memref<!tpu.dma_semaphore, #tpu.memory_space<semaphore_mem>>
      %dma_start3A = arith.constant 0 : i32
      %dma_start3A_27 = tpu.memref_slice %arg10[%add3A_15, %dma_start3A] : memref<10240x128xf32, #tpu.memory_space<vmem_shared>> -> memref<128x128xf32, #tpu.memory_space<vmem_shared>>
      %dma_start3A_28 = arith.constant 0 : i32
      %dma_start3A_29 = tpu.memref_slice %arg10[%add3A_15, %dma_start3A_28] : memref<10240x128xf32, #tpu.memory_space<vmem_shared>> -> memref<128x128xf32, #tpu.memory_space<vmem_shared>>
      tpu.enqueue_dma source(%arg9 : memref<128x128xf32, #tpu.memory_space<vmem>>) target(%dma_start3A_29 : memref<128x128xf32, #tpu.memory_space<vmem_shared>>) target_semaphore(%run_scoped3A : memref<!tpu.dma_semaphore, #tpu.memory_space<semaphore_mem>>)
      %dma_wait3A = arith.constant 0 : i32
      %dma_wait3A_30 = tpu.memref_slice %arg10[%add3A_15, %dma_wait3A] : memref<10240x128xf32, #tpu.memory_space<vmem_shared>> -> memref<128x128xf32, #tpu.memory_space<vmem_shared>>
      %dma_wait3A_31 = arith.constant 0 : i32
      %dma_wait3A_32 = tpu.memref_slice %arg10[%add3A_15, %dma_wait3A_31] : memref<10240x128xf32, #tpu.memory_space<vmem_shared>> -> memref<128x128xf32, #tpu.memory_space<vmem_shared>>
      tpu.wait_dma2 semaphore(%run_scoped3A : memref<!tpu.dma_semaphore, #tpu.memory_space<semaphore_mem>>) src(%arg9 : memref<128x128xf32, #tpu.memory_space<vmem>>) dst(%dma_wait3A_32 : memref<128x128xf32, #tpu.memory_space<vmem_shared>>)
      tpu.yield
    }) : () -> ()
    %add3A_16 = arith.constant 512 : i32
    %add3A_17 = arith.addi %mul3A_7, %add3A_16 : i32
    "tpu.region"() ({
      %run_scoped3A = tpu.sem_alloc : memref<!tpu.dma_semaphore, #tpu.memory_space<semaphore_mem>>
      %dma_start3A = arith.constant 0 : i32
      %dma_start3A_27 = tpu.memref_slice %arg10[%add3A_17, %dma_start3A] : memref<10240x128xf32, #tpu.memory_space<vmem_shared>> -> memref<128x128xf32, #tpu.memory_space<vmem_shared>>
      %dma_start3A_28 = arith.constant 0 : i32
      %dma_start3A_29 = tpu.memref_slice %arg10[%add3A_17, %dma_start3A_28] : memref<10240x128xf32, #tpu.memory_space<vmem_shared>> -> memref<128x128xf32, #tpu.memory_space<vmem_shared>>
      tpu.enqueue_dma source(%arg9 : memref<128x128xf32, #tpu.memory_space<vmem>>) target(%dma_start3A_29 : memref<128x128xf32, #tpu.memory_space<vmem_shared>>) target_semaphore(%run_scoped3A : memref<!tpu.dma_semaphore, #tpu.memory_space<semaphore_mem>>)
      %dma_wait3A = arith.constant 0 : i32
      %dma_wait3A_30 = tpu.memref_slice %arg10[%add3A_17, %dma_wait3A] : memref<10240x128xf32, #tpu.memory_space<vmem_shared>> -> memref<128x128xf32, #tpu.memory_space<vmem_shared>>
      %dma_wait3A_31 = arith.constant 0 : i32
      %dma_wait3A_32 = tpu.memref_slice %arg10[%add3A_17, %dma_wait3A_31] : memref<10240x128xf32, #tpu.memory_space<vmem_shared>> -> memref<128x128xf32, #tpu.memory_space<vmem_shared>>
      tpu.wait_dma2 semaphore(%run_scoped3A : memref<!tpu.dma_semaphore, #tpu.memory_space<semaphore_mem>>) src(%arg9 : memref<128x128xf32, #tpu.memory_space<vmem>>) dst(%dma_wait3A_32 : memref<128x128xf32, #tpu.memory_space<vmem_shared>>)
      tpu.yield
    }) : () -> ()
    %barrier3A = arith.constant 0 : index
    tpu.barrier barrier_id(%barrier3A)
    %mul3A_18 = arith.constant 10112 : i32
    %mul3A_19 = arith.muli %add3A, %mul3A_18 : i32
    %scan3A_20 = arith.constant 0 : i32
    %scan3A_21 = arith.constant 0 : i32
    %scan3A_22 = arith.constant 79 : i32
    %scan3A_23 = arith.addi %scan3A_21, %scan3A_22 : i32
    %scan3A_24 = arith.constant 1 : i32
    scf.for %scan3A_27 = %scan3A_21 to %scan3A_23 step %scan3A_24  : i32 {
      %mul3A_28 = arith.constant 128 : i32
      %mul3A_29 = arith.muli %scan3A_27, %mul3A_28 : i32
      %add3A_30 = arith.addi %mul3A_19, %mul3A_29 : i32
      %multiple_of3A = tpu.assume_multiple %add3A_30, 128 : i32
      "tpu.region"() ({
        %run_scoped3A = tpu.sem_alloc : memref<!tpu.dma_semaphore, #tpu.memory_space<semaphore_mem>>
        %dma_start3A_35 = tpu.memref_slice %arg3[%multiple_of3A] : memref<323584xi32, #tpu.memory_space<hbm>> -> memref<128xi32, #tpu.memory_space<hbm>>
        %dma_start3A_36 = tpu.memref_slice %arg3[%multiple_of3A] : memref<323584xi32, #tpu.memory_space<hbm>> -> memref<128xi32, #tpu.memory_space<hbm>>
        tpu.enqueue_dma source(%dma_start3A_36 : memref<128xi32, #tpu.memory_space<hbm>>) target(%arg6 : memref<128xi32, #tpu.memory_space<vmem>>) target_semaphore(%run_scoped3A : memref<!tpu.dma_semaphore, #tpu.memory_space<semaphore_mem>>)
        %dma_wait3A_37 = tpu.memref_slice %arg3[%multiple_of3A] : memref<323584xi32, #tpu.memory_space<hbm>> -> memref<128xi32, #tpu.memory_space<hbm>>
        %dma_wait3A_38 = tpu.memref_slice %arg3[%multiple_of3A] : memref<323584xi32, #tpu.memory_space<hbm>> -> memref<128xi32, #tpu.memory_space<hbm>>
        tpu.wait_dma2 semaphore(%run_scoped3A : memref<!tpu.dma_semaphore, #tpu.memory_space<semaphore_mem>>) src(%dma_wait3A_38 : memref<128xi32, #tpu.memory_space<hbm>>) dst(%arg6 : memref<128xi32, #tpu.memory_space<vmem>>)
        tpu.yield
      }) : () -> ()
      "tpu.region"() ({
        %run_scoped3A = tpu.sem_alloc : memref<!tpu.dma_semaphore, #tpu.memory_space<semaphore_mem>>
        %dma_start3A_35 = tpu.memref_slice %arg4[%multiple_of3A] : memref<323584xi32, #tpu.memory_space<hbm>> -> memref<128xi32, #tpu.memory_space<hbm>>
        %dma_start3A_36 = tpu.memref_slice %arg4[%multiple_of3A] : memref<323584xi32, #tpu.memory_space<hbm>> -> memref<128xi32, #tpu.memory_space<hbm>>
        tpu.enqueue_dma source(%dma_start3A_36 : memref<128xi32, #tpu.memory_space<hbm>>) target(%arg7 : memref<128xi32, #tpu.memory_space<vmem>>) target_semaphore(%run_scoped3A : memref<!tpu.dma_semaphore, #tpu.memory_space<semaphore_mem>>)
        %dma_wait3A_37 = tpu.memref_slice %arg4[%multiple_of3A] : memref<323584xi32, #tpu.memory_space<hbm>> -> memref<128xi32, #tpu.memory_space<hbm>>
        %dma_wait3A_38 = tpu.memref_slice %arg4[%multiple_of3A] : memref<323584xi32, #tpu.memory_space<hbm>> -> memref<128xi32, #tpu.memory_space<hbm>>
        tpu.wait_dma2 semaphore(%run_scoped3A : memref<!tpu.dma_semaphore, #tpu.memory_space<semaphore_mem>>) src(%dma_wait3A_38 : memref<128xi32, #tpu.memory_space<hbm>>) dst(%arg7 : memref<128xi32, #tpu.memory_space<vmem>>)
        tpu.yield
      }) : () -> ()
      %dma_start3A = arith.constant 0 : i32
      %dma_start3A_31 = arith.constant 0 : i32
      %dma_start3A_32 = tpu.memref_slice %arg2[%dma_start3A, %dma_start3A_31] : memref<270000x128xf32, #tpu.memory_space<hbm>> -> memref<270000x128xf32, #tpu.memory_space<hbm>>
      tpu.enqueue_indirect_dma source(%dma_start3A_32 : memref<270000x128xf32, #tpu.memory_space<hbm>>) target(%arg8 : memref<128x128xf32, #tpu.memory_space<vmem>>) offsets(%arg6 : memref<128xi32, #tpu.memory_space<vmem>>) semaphore(%arg11 : memref<!tpu.dma_semaphore, #tpu.memory_space<semaphore_mem>>)
      %dma_wait3A = arith.constant 0 : i32
      %dma_wait3A_33 = arith.constant 0 : i32
      %dma_wait3A_34 = tpu.memref_slice %arg2[%dma_wait3A, %dma_wait3A_33] : memref<270000x128xf32, #tpu.memory_space<hbm>> -> memref<270000x128xf32, #tpu.memory_space<hbm>>
      tpu.wait_indirect_dma semaphore(%arg11 : memref<!tpu.dma_semaphore, #tpu.memory_space<semaphore_mem>>) src(%dma_wait3A_34 : memref<270000x128xf32, #tpu.memory_space<hbm>>) dst(%arg8 : memref<128x128xf32, #tpu.memory_space<vmem>>)
      "tpu.region"() ({
        %run_scoped3A = tpu.sem_alloc : memref<!tpu.dma_semaphore, #tpu.memory_space<semaphore_mem>>
        %dma_start3A_35 = arith.constant 0 : i32
        %dma_start3A_36 = arith.constant 0 : i32
        %dma_start3A_37 = tpu.memref_slice %arg10[%dma_start3A_35, %dma_start3A_36] : memref<10240x128xf32, #tpu.memory_space<vmem_shared>> -> memref<10240x128xf32, #tpu.memory_space<vmem_shared>>
        tpu.enqueue_indirect_dma source(%arg8 : memref<128x128xf32, #tpu.memory_space<vmem>>) target(%dma_start3A_37 : memref<10240x128xf32, #tpu.memory_space<vmem_shared>>) offsets(%arg7 : memref<128xi32, #tpu.memory_space<vmem>>) semaphore(%run_scoped3A : memref<!tpu.dma_semaphore, #tpu.memory_space<semaphore_mem>>) {add = true}
        %dma_wait3A_38 = arith.constant 0 : i32
        %dma_wait3A_39 = arith.constant 0 : i32
        %dma_wait3A_40 = tpu.memref_slice %arg10[%dma_wait3A_38, %dma_wait3A_39] : memref<10240x128xf32, #tpu.memory_space<vmem_shared>> -> memref<10240x128xf32, #tpu.memory_space<vmem_shared>>
        tpu.wait_indirect_dma semaphore(%run_scoped3A : memref<!tpu.dma_semaphore, #tpu.memory_space<semaphore_mem>>) src(%arg8 : memref<128x128xf32, #tpu.memory_space<vmem>>) dst(%dma_wait3A_40 : memref<10240x128xf32, #tpu.memory_space<vmem_shared>>)
        tpu.yield
      }) : () -> ()
    }
    %scan3A_25 = arith.constant 79 : i32
    %barrier3A_26 = arith.constant 0 : index
    tpu.barrier barrier_id(%barrier3A_26)
    "tpu.region"() ({
      %run_scoped3A = tpu.sem_alloc : memref<!tpu.dma_semaphore, #tpu.memory_space<semaphore_mem>>
      %dma_start3A = arith.constant 0 : i32
      %dma_start3A_27 = tpu.memref_slice %arg5[%arg0, %mul3A_7, %dma_start3A] : memref<2x10240x128xf32, #tpu.memory_space<hbm>> -> memref<1x640x128xf32, #tpu.memory_space<hbm>>
      %dma_start3A_28 = tpu.memref_squeeze %dma_start3A_27 : memref<1x640x128xf32, #tpu.memory_space<hbm>> -> memref<640x128xf32, #tpu.memory_space<hbm>>
      %dma_start3A_29 = arith.constant 0 : i32
      %dma_start3A_30 = tpu.memref_slice %arg10[%mul3A_7, %dma_start3A_29] : memref<10240x128xf32, #tpu.memory_space<vmem_shared>> -> memref<640x128xf32, #tpu.memory_space<vmem_shared>>
      tpu.enqueue_dma source(%dma_start3A_30 : memref<640x128xf32, #tpu.memory_space<vmem_shared>>) target(%dma_start3A_28 : memref<640x128xf32, #tpu.memory_space<hbm>>) target_semaphore(%run_scoped3A : memref<!tpu.dma_semaphore, #tpu.memory_space<semaphore_mem>>)
      %dma_wait3A = arith.constant 0 : i32
      %dma_wait3A_31 = tpu.memref_slice %arg5[%arg0, %mul3A_7, %dma_wait3A] : memref<2x10240x128xf32, #tpu.memory_space<hbm>> -> memref<1x640x128xf32, #tpu.memory_space<hbm>>
      %dma_wait3A_32 = tpu.memref_squeeze %dma_wait3A_31 : memref<1x640x128xf32, #tpu.memory_space<hbm>> -> memref<640x128xf32, #tpu.memory_space<hbm>>
      %dma_wait3A_33 = arith.constant 0 : i32
      %dma_wait3A_34 = tpu.memref_slice %arg10[%mul3A_7, %dma_wait3A_33] : memref<10240x128xf32, #tpu.memory_space<vmem_shared>> -> memref<640x128xf32, #tpu.memory_space<vmem_shared>>
      tpu.wait_dma2 semaphore(%run_scoped3A : memref<!tpu.dma_semaphore, #tpu.memory_space<semaphore_mem>>) src(%dma_wait3A_34 : memref<640x128xf32, #tpu.memory_space<vmem_shared>>) dst(%dma_wait3A_32 : memref<640x128xf32, #tpu.memory_space<hbm>>)
      tpu.yield
    }) : () -> ()
    return
  }
}

module attributes {stable_mosaic.version = 14 : i64} {
  func.func @body(%arg0: i32, %arg1: memref<10000x128xf32, #tpu.memory_space<vmem>>, %arg2: memref<1x128x128xf32, #tpu.memory_space<vmem>>, %arg3: memref<1x10000x128xf32, #tpu.memory_space<vmem>>) attributes {dimension_semantics = [#tpu.dimension_semantics<arbitrary>], iteration_bounds = array<i64: 27>, scalar_prefetch = 0 : i64, scratch_operands = 0 : i64, tpu.core_type = #tpu.core_type<tc>, window_params = [{pipeline_mode = #tpu.pipeline_mode<synchronous>, transform_indices = @transform_0, window_bounds = array<i64: 10000, 128>}, {transform_indices = @transform_1, window_bounds = array<i64: 1, 128, 128>}, {transform_indices = @transform_2, window_bounds = array<i64: 1, 10000, 128>}]} {
    %get3A = arith.constant 0 : index
    %get3A_0 = arith.constant 0 : index
    %get3A_1 = vector.load %arg1[%get3A, %get3A_0] : memref<10000x128xf32, #tpu.memory_space<vmem>>, vector<10000x128xf32>
    %get3A_2 = arith.constant 0 : index
    %get3A_3 = arith.constant 0 : index
    %get3A_4 = arith.constant 0 : index
    %get3A_5 = vector.load %arg2[%get3A_2, %get3A_3, %get3A_4] : memref<1x128x128xf32, #tpu.memory_space<vmem>>, vector<1x128x128xf32>
    %get3A_6 = vector.shape_cast %get3A_5 : vector<1x128x128xf32> to vector<128x128xf32>
    %dot_general3A = arith.constant dense<0.000000e+00> : vector<10000x128xf32>
    %dot_general3A_7 = tpu.matmul %get3A_1, %get3A_6, %dot_general3A {dimension_numbers = #tpu.dot_dimension_numbers<[1], [0], [0], [1], [0, 0, 1, 1], [], []>, transpose_lhs_hint = false} : vector<10000x128xf32>, vector<128x128xf32>, vector<10000x128xf32> -> vector<10000x128xf32>
    %swap3A = arith.constant 0 : index
    %swap3A_8 = arith.constant 0 : index
    %swap3A_9 = arith.constant 0 : index
    %swap3A_10 = vector.load %arg3[%swap3A, %swap3A_8, %swap3A_9] : memref<1x10000x128xf32, #tpu.memory_space<vmem>>, vector<1x10000x128xf32>
    %swap3A_11 = vector.shape_cast %swap3A_10 : vector<1x10000x128xf32> to vector<10000x128xf32>
    %swap3A_12 = vector.shape_cast %dot_general3A_7 : vector<10000x128xf32> to vector<1x10000x128xf32>
    tpu.vector_store %arg3[%swap3A, %swap3A_8, %swap3A_9], %swap3A_12 {strides = array<i32>} : memref<1x10000x128xf32, #tpu.memory_space<vmem>>, vector<1x10000x128xf32>,
    return
  }
  func.func @transform_0(%arg0: i32) -> (i32, i32) {
    %c0_i32 = arith.constant 0 : i32
    %c0_i32_0 = arith.constant 0 : i32
    %c0_i32_1 = arith.constant 0 : i32
    return %c0_i32, %c0_i32_0 : i32, i32
  }
  func.func @transform_1(%arg0: i32) -> (i32, i32, i32) {
    %c0_i32 = arith.constant 0 : i32
    %c0_i32_0 = arith.constant 0 : i32
    %c0_i32_1 = arith.constant 0 : i32
    return %arg0, %c0_i32, %c0_i32_0 : i32, i32, i32
  }
  func.func @transform_2(%arg0: i32) -> (i32, i32, i32) {
    %c0_i32 = arith.constant 0 : i32
    %c0_i32_0 = arith.constant 0 : i32
    %c0_i32_1 = arith.constant 0 : i32
    return %arg0, %c0_i32, %c0_i32_0 : i32, i32, i32
  }
}

module attributes {stable_mosaic.version = 14 : i64} {
  func.func @body(%arg0: memref<2x10240x128xf32, #tpu.memory_space<vmem>>, %arg1: memref<1x128xf32, #tpu.memory_space<vmem>>, %arg2: memref<1x128xf32, #tpu.memory_space<vmem>>, %arg3: memref<10000x128xf32, #tpu.memory_space<vmem>>) attributes {dimension_semantics = [], scalar_prefetch = 0 : i64, scratch_operands = 0 : i64, tpu.core_type = #tpu.core_type<tc>} {
    %get3A = arith.constant 0 : index
    %get3A_0 = arith.constant 0 : index
    %get3A_1 = arith.constant 0 : index
    %get3A_2 = vector.load %arg0[%get3A, %get3A_0, %get3A_1] : memref<2x10240x128xf32, #tpu.memory_space<vmem>>, vector<1x10000x128xf32>
    %get3A_3 = vector.shape_cast %get3A_2 : vector<1x10000x128xf32> to vector<10000x128xf32>
    %get3A_4 = arith.constant 1 : index
    %get3A_5 = arith.constant 0 : index
    %get3A_6 = arith.constant 0 : index
    %get3A_7 = vector.load %arg0[%get3A_4, %get3A_5, %get3A_6] : memref<2x10240x128xf32, #tpu.memory_space<vmem>>, vector<1x10000x128xf32>
    %get3A_8 = vector.shape_cast %get3A_7 : vector<1x10000x128xf32> to vector<10000x128xf32>
    %add3A = arith.addf %get3A_3, %get3A_8 : vector<10000x128xf32>
    %reduce_sum3A = arith.constant dense<0.000000e+00> : vector<128xf32>
    %reduce_sum3A_9 = vector.multi_reduction <add>, %add3A, %reduce_sum3A [0] : vector<10000x128xf32> to vector<128xf32>
    %broadcast_in_dim3A = vector.shape_cast %reduce_sum3A_9 : vector<128xf32> to vector<1x128xf32>
    %div3A = arith.constant 1.000000e+04 : f32
    %div3A_10 = vector.broadcast %div3A : f32 to vector<1x128xf32>
    %div3A_11 = arith.divf %broadcast_in_dim3A, %div3A_10 : vector<1x128xf32>
    %sub3A = vector.broadcast %div3A_11 : vector<1x128xf32> to vector<10000x128xf32>
    %sub3A_12 = arith.subf %add3A, %sub3A : vector<10000x128xf32>
    %square3A = arith.mulf %sub3A_12, %sub3A_12 : vector<10000x128xf32>
    %reduce_sum3A_13 = arith.constant dense<0.000000e+00> : vector<128xf32>
    %reduce_sum3A_14 = vector.multi_reduction <add>, %square3A, %reduce_sum3A_13 [0] : vector<10000x128xf32> to vector<128xf32>
    %broadcast_in_dim3A_15 = vector.shape_cast %reduce_sum3A_14 : vector<128xf32> to vector<1x128xf32>
    %div3A_16 = arith.constant 1.000000e+04 : f32
    %div3A_17 = vector.broadcast %div3A_16 : f32 to vector<1x128xf32>
    %div3A_18 = arith.divf %broadcast_in_dim3A_15, %div3A_17 : vector<1x128xf32>
    %sub3A_19 = vector.broadcast %div3A_11 : vector<1x128xf32> to vector<10000x128xf32>
    %sub3A_20 = arith.subf %add3A, %sub3A_19 : vector<10000x128xf32>
    %add3A_21 = arith.constant 9.99999974E-6 : f32
    %add3A_22 = vector.broadcast %add3A_21 : f32 to vector<1x128xf32>
    %add3A_23 = arith.addf %div3A_18, %add3A_22 : vector<1x128xf32>
    %rsqrt3A = math.rsqrt %add3A_23 : vector<1x128xf32>
    %mul3A = vector.broadcast %rsqrt3A : vector<1x128xf32> to vector<10000x128xf32>
    %mul3A_24 = arith.mulf %sub3A_20, %mul3A : vector<10000x128xf32>
    %get3A_25 = arith.constant 0 : index
    %get3A_26 = arith.constant 0 : index
    %get3A_27 = vector.load %arg1[%get3A_25, %get3A_26] : memref<1x128xf32, #tpu.memory_space<vmem>>, vector<1x128xf32>
    %mul3A_28 = vector.broadcast %get3A_27 : vector<1x128xf32> to vector<10000x128xf32>
    %mul3A_29 = arith.mulf %mul3A_24, %mul3A_28 : vector<10000x128xf32>
    %get3A_30 = arith.constant 0 : index
    %get3A_31 = arith.constant 0 : index
    %get3A_32 = vector.load %arg2[%get3A_30, %get3A_31] : memref<1x128xf32, #tpu.memory_space<vmem>>, vector<1x128xf32>
    %add3A_33 = vector.broadcast %get3A_32 : vector<1x128xf32> to vector<10000x128xf32>
    %add3A_34 = arith.addf %mul3A_29, %add3A_33 : vector<10000x128xf32>
    %logistic3A = arith.negf %add3A_34 : vector<10000x128xf32>
    %logistic3A_35 = math.exp %logistic3A : vector<10000x128xf32>
    %logistic3A_36 = arith.constant 1.000000e+00 : f32
    %logistic3A_37 = vector.broadcast %logistic3A_36 : f32 to vector<10000x128xf32>
    %logistic3A_38 = arith.addf %logistic3A_37, %logistic3A_35 : vector<10000x128xf32>
    %logistic3A_39 = arith.divf %logistic3A_37, %logistic3A_38 : vector<10000x128xf32>
    %mul3A_40 = arith.mulf %add3A_34, %logistic3A_39 : vector<10000x128xf32>
    %swap3A = arith.constant 0 : index
    %swap3A_41 = arith.constant 0 : index
    %swap3A_42 = vector.load %arg3[%swap3A, %swap3A_41] : memref<10000x128xf32, #tpu.memory_space<vmem>>, vector<10000x128xf32>
    tpu.vector_store %arg3[%swap3A, %swap3A_41], %mul3A_40 {strides = array<i32>} : memref<10000x128xf32, #tpu.memory_space<vmem>>, vector<10000x128xf32>,
    return
  }
}

module attributes {stable_mosaic.version = 14 : i64} {
  func.func @body(%arg0: memref<2x10240x128xf32, #tpu.memory_space<vmem>>, %arg1: memref<10000x128xf32, #tpu.memory_space<vmem>>, %arg2: memref<128x128xf32, #tpu.memory_space<vmem>>, %arg3: memref<1x128xf32, #tpu.memory_space<vmem>>, %arg4: memref<1x128xf32, #tpu.memory_space<vmem>>, %arg5: memref<1x128xf32, #tpu.memory_space<vmem>>, %arg6: memref<10000x128xf32, #tpu.memory_space<vmem>>) attributes {dimension_semantics = [], scalar_prefetch = 0 : i64, scratch_operands = 0 : i64, tpu.core_type = #tpu.core_type<tc>} {
    %get3A = arith.constant 0 : index
    %get3A_0 = arith.constant 0 : index
    %get3A_1 = arith.constant 0 : index
    %get3A_2 = vector.load %arg0[%get3A, %get3A_0, %get3A_1] : memref<2x10240x128xf32, #tpu.memory_space<vmem>>, vector<1x10000x128xf32>
    %get3A_3 = vector.shape_cast %get3A_2 : vector<1x10000x128xf32> to vector<10000x128xf32>
    %get3A_4 = arith.constant 1 : index
    %get3A_5 = arith.constant 0 : index
    %get3A_6 = arith.constant 0 : index
    %get3A_7 = vector.load %arg0[%get3A_4, %get3A_5, %get3A_6] : memref<2x10240x128xf32, #tpu.memory_space<vmem>>, vector<1x10000x128xf32>
    %get3A_8 = vector.shape_cast %get3A_7 : vector<1x10000x128xf32> to vector<10000x128xf32>
    %add3A = arith.addf %get3A_3, %get3A_8 : vector<10000x128xf32>
    %get3A_9 = arith.constant 0 : index
    %get3A_10 = arith.constant 0 : index
    %get3A_11 = vector.load %arg1[%get3A_9, %get3A_10] : memref<10000x128xf32, #tpu.memory_space<vmem>>, vector<10000x128xf32>
    %get3A_12 = arith.constant 0 : index
    %get3A_13 = arith.constant 0 : index
    %get3A_14 = vector.load %arg2[%get3A_12, %get3A_13] : memref<128x128xf32, #tpu.memory_space<vmem>>, vector<128x128xf32>
    %dot_general3A = arith.constant dense<0.000000e+00> : vector<10000x128xf32>
    %dot_general3A_15 = tpu.matmul %get3A_11, %get3A_14, %dot_general3A {dimension_numbers = #tpu.dot_dimension_numbers<[1], [0], [0], [1], [0, 0, 1, 1], [], []>, transpose_lhs_hint = false} : vector<10000x128xf32>, vector<128x128xf32>, vector<10000x128xf32> -> vector<10000x128xf32>
    %get3A_16 = arith.constant 0 : index
    %get3A_17 = arith.constant 0 : index
    %get3A_18 = vector.load %arg3[%get3A_16, %get3A_17] : memref<1x128xf32, #tpu.memory_space<vmem>>, vector<1x128xf32>
    %add3A_19 = vector.broadcast %get3A_18 : vector<1x128xf32> to vector<10000x128xf32>
    %add3A_20 = arith.addf %dot_general3A_15, %add3A_19 : vector<10000x128xf32>
    %reduce_sum3A = arith.constant dense<0.000000e+00> : vector<128xf32>
    %reduce_sum3A_21 = vector.multi_reduction <add>, %add3A_20, %reduce_sum3A [0] : vector<10000x128xf32> to vector<128xf32>
    %broadcast_in_dim3A = vector.shape_cast %reduce_sum3A_21 : vector<128xf32> to vector<1x128xf32>
    %div3A = arith.constant 1.000000e+04 : f32
    %div3A_22 = vector.broadcast %div3A : f32 to vector<1x128xf32>
    %div3A_23 = arith.divf %broadcast_in_dim3A, %div3A_22 : vector<1x128xf32>
    %sub3A = vector.broadcast %div3A_23 : vector<1x128xf32> to vector<10000x128xf32>
    %sub3A_24 = arith.subf %add3A_20, %sub3A : vector<10000x128xf32>
    %square3A = arith.mulf %sub3A_24, %sub3A_24 : vector<10000x128xf32>
    %reduce_sum3A_25 = arith.constant dense<0.000000e+00> : vector<128xf32>
    %reduce_sum3A_26 = vector.multi_reduction <add>, %square3A, %reduce_sum3A_25 [0] : vector<10000x128xf32> to vector<128xf32>
    %broadcast_in_dim3A_27 = vector.shape_cast %reduce_sum3A_26 : vector<128xf32> to vector<1x128xf32>
    %div3A_28 = arith.constant 1.000000e+04 : f32
    %div3A_29 = vector.broadcast %div3A_28 : f32 to vector<1x128xf32>
    %div3A_30 = arith.divf %broadcast_in_dim3A_27, %div3A_29 : vector<1x128xf32>
    %sub3A_31 = vector.broadcast %div3A_23 : vector<1x128xf32> to vector<10000x128xf32>
    %sub3A_32 = arith.subf %add3A_20, %sub3A_31 : vector<10000x128xf32>
    %add3A_33 = arith.constant 9.99999974E-6 : f32
    %add3A_34 = vector.broadcast %add3A_33 : f32 to vector<1x128xf32>
    %add3A_35 = arith.addf %div3A_30, %add3A_34 : vector<1x128xf32>
    %rsqrt3A = math.rsqrt %add3A_35 : vector<1x128xf32>
    %mul3A = vector.broadcast %rsqrt3A : vector<1x128xf32> to vector<10000x128xf32>
    %mul3A_36 = arith.mulf %sub3A_32, %mul3A : vector<10000x128xf32>
    %get3A_37 = arith.constant 0 : index
    %get3A_38 = arith.constant 0 : index
    %get3A_39 = vector.load %arg4[%get3A_37, %get3A_38] : memref<1x128xf32, #tpu.memory_space<vmem>>, vector<1x128xf32>
    %mul3A_40 = vector.broadcast %get3A_39 : vector<1x128xf32> to vector<10000x128xf32>
    %mul3A_41 = arith.mulf %mul3A_36, %mul3A_40 : vector<10000x128xf32>
    %get3A_42 = arith.constant 0 : index
    %get3A_43 = arith.constant 0 : index
    %get3A_44 = vector.load %arg5[%get3A_42, %get3A_43] : memref<1x128xf32, #tpu.memory_space<vmem>>, vector<1x128xf32>
    %add3A_45 = vector.broadcast %get3A_44 : vector<1x128xf32> to vector<10000x128xf32>
    %add3A_46 = arith.addf %mul3A_41, %add3A_45 : vector<10000x128xf32>
    %max3A = arith.constant 0.000000e+00 : f32
    %max3A_47 = vector.broadcast %max3A : f32 to vector<10000x128xf32>
    %max3A_48 = arith.maximumf %add3A_46, %max3A_47 : vector<10000x128xf32>
    %add3A_49 = arith.addf %add3A, %max3A_48 : vector<10000x128xf32>
    %swap3A = arith.constant 0 : index
    %swap3A_50 = arith.constant 0 : index
    %swap3A_51 = vector.load %arg6[%swap3A, %swap3A_50] : memref<10000x128xf32, #tpu.memory_space<vmem>>, vector<10000x128xf32>
    tpu.vector_store %arg6[%swap3A, %swap3A_50], %add3A_49 {strides = array<i32>} : memref<10000x128xf32, #tpu.memory_space<vmem>>, vector<10000x128xf32>,
    return
  }
}

</mosaic_0001>

<sc_bundles>
// kernel: kernel.11.cloned.1.call-start
scs
__scs_entry_jumppad:
0x0: {  	(pc) =	sbr.rel $0x88, $3  }
0x1: {  	(tag) =	ssettag $0x0;
	lr =	simm.s32 $0x1  }
0x2: {  	[smem:$0x3F95] =	sst lr;
	_ =	strace $0xD0000000  }
0x3: {  	_ = 	snop  }
0x4: {  	_ = 	snop  }
0x5: {  	_ = 	snop  }
0x6: {  	_ = 	snop  }
0x7: {  	_ = 	snop  }
__scs_overlays_trampoline_lowered:
0x8: {  	[smem:$0x3FA4] =	sst s0  }
0x9: {  	[smem:$0x3FA5] =	sst s1  }
0xa: {  	[smem:$0x3FA6] =	sst s2  }
0xb: {  	[smem:$0x3FA7] =	sst s3  }
0xc: {  	[smem:$0x3FA8] =	sst s4  }
0xd: {  	[smem:$0x3FA9] =	sst s5  }
0xe: {  	[smem:$0x3FAA] =	sst s6  }
0xf: {  	[smem:$0x3FAB] =	sst s7  }
0x10: {  	[smem:$0x3FAC] =	sst s8  }
0x11: {  	[smem:$0x3FAD] =	sst s9;
	s0 =	simm.s32 @!p0 $0x0  }
0x12: {  	s1 =	sld [smem:$0x3F93];
	s0 =	simm.s32 @p0 $0x1  }
0x13: {  	[smem:$0x3FAE] =	sst s0;
	s0 =	simm.s32 @!p1 $0x0  }
0x14: {  	s2 =	sld [smem:$0x3F92];
	s0 =	simm.s32 @p1 $0x1  }
0x15: {  	[smem:$0x3FAF] =	sst s0;
	s0 =	simm.s32 @!p2 $0x0  }
0x16: {  	s3 =	sld [smem:$0x3FDB];
	s0 =	simm.s32 @p2 $0x1  }
0x17: {  	s4 =	simm.s32 $0x1BF5;
	[smem:$0x3FB1] =	sst s0  }
0x18: {  	s0 =	sld [smem:$0x3F94];
	_ =	swait.ge [sflag:s4], $0x0  }
0x19: {  	s7 =	sld [smem:$0x3F95]  }
0x1a: {  	s8 =	sadd.s32 $0xFFFFE003, lr  }
0x1b: {  	s9 =	sadd.s32 $0xFFFFFEF7, lr;
	s5 =	simm.s32 $0xFFFFFFFF;
	p2 =	slt.u32 s8, $0xFFFFF086  }
0x1c: {  	p1 =	slt.u32 s9, $0xF7A;
	s5 =	simm.s32 @!p2 $0x0  }
0x1d: {  	s5 =	simm.s32 @p1 $0x1;
	p0 =	seq.s32 s7, s2  }
0x1e: {  	s7 =	smul.u32 @!p0 $0xF7A, s2;
	p2 =	seq.s32 @!p0 s5, $0x0  }
0x1f: {  	s9 =	smul.u32 $0xF7A, s1;
	s8 =	simm.s32 @!p0 $0x1BF5;
	p2 =	por !p2, p0  }
0x20: {  	[sflag:s8] =	ssyncset.s32 @!p0 $0xFFFFF086;
	s6 =	sadd.s32 @!p0 s3, s7;
	s7 =	simm.s32 @!p0 $0x108  }
0x21: {  	s3 =	sadd.s32 s3, s9;
	s6 =	sadd.s32 @!p0 $0x88, s6;
	s7 =	simm.s32 @p2 $0x1082  }
0x22: {  	[simem:s7], [sflag:s8] =	dma.local @!p0 [hbm:s6], $0xF7A  }
0x23: {  	s9 =	sor.u32 $0xD0000000, s2;
	s6 =	simm.s32 $0x108;
	_ =	swait.ge @!p0 [sflag:s8], $0x0  }
0x24: {  	s3 =	sadd.s32 $0x88, s3;
	s6 =	simm.s32 @!p1 $0x1082;
	[sflag:s4] =	ssyncset.s32 $0xFFFFF086  }
0x25: {  	[simem:s6], [sflag:s4] =	dma.local [hbm:s3], $0xF7A  }
0x26: {  	[smem:$0x3F95] =	sst s1;
	(tag) =	ssettag s2;
	_ =	strace s9  }
0x27: {  	s1 =	sld [smem:$0x3FA5]  }
0x28: {  	s2 =	sld [smem:$0x3FA6]  }
0x29: {  	s4 =	sld [smem:$0x3FA8]  }
0x2a: {  	p0 =	seq.s32 s5, $0x0;
	s5 =	sld [smem:$0x3FA9]  }
0x2b: {  	s6 =	sld [smem:$0x3FAA]  }
0x2c: {  	s7 =	sld [smem:$0x3FAB]  }
0x2d: {  	s3 =	simm.s32 $0x108;
	s8 =	sld [smem:$0x3FAC]  }
0x2e: {  	s3 =	simm.s32 @!p0 $0x1082;
	s9 =	sld [smem:$0x3FAD]  }
0x2f: {  	lr =	sadd.s32 s0, s3;
	s0 =	sld [smem:$0x3FA4]  }
0x30: {  	s3 =	sld [smem:$0x3FA7]  }
0x31: {  	[smem:$0x3FB0] =	sst s10  }
0x32: {  	s10 =	sld [smem:$0x3FAE];
	_ =	sdelay $0x3  }
0x33: {  	p0 =	seq.s32 s10, $0x1;
	s10 =	sld [smem:$0x3FB0];
	_ =	sdelay $0x3  }
0x34: {  	[smem:$0x3FB0] =	sst s10  }
0x35: {  	s10 =	sld [smem:$0x3FAF];
	_ =	sdelay $0x3  }
0x36: {  	p1 =	seq.s32 s10, $0x1;
	s10 =	sld [smem:$0x3FB0];
	_ =	sdelay $0x3  }
0x37: {  	[smem:$0x3FB0] =	sst s10  }
0x38: {  	s10 =	sld [smem:$0x3FB1]  }
0x39: {  	_ = 	snop;
	(pc) =	sbr.ind lr, $3  }
0x3a: {  	_ = 	snop  }
0x3b: {  	_ = 	snop  }
0x3c: {  	p2 =	seq.s32 s10, $0x1;
	s10 =	sld [smem:$0x3FB0]  }
0x3d: {  	_ =	shalt  }
0x3e: {  	_ =	shalt  }
0x3f: {  	_ =	shalt  }
0x40: {  	_ =	shalt  }
0x41: {  	_ =	shalt  }
0x42: {  	_ =	shalt  }
0x43: {  	_ =	shalt  }
0x44: {  	_ =	shalt  }
0x45: {  	_ =	shalt  }
0x46: {  	_ =	shalt  }
0x47: {  	_ =	shalt  }
0x48: {  	_ =	shalt  }
0x49: {  	_ =	shalt  }
0x4a: {  	_ =	shalt  }
0x4b: {  	_ =	shalt  }
0x4c: {  	_ =	shalt  }
0x4d: {  	_ =	shalt  }
0x4e: {  	_ =	shalt  }
0x4f: {  	_ =	shalt  }
0x50: {  	_ =	shalt  }
0x51: {  	_ =	shalt  }
0x52: {  	_ =	shalt  }
0x53: {  	_ =	shalt  }
0x54: {  	_ =	shalt  }
0x55: {  	_ =	shalt  }
0x56: {  	_ =	shalt  }
0x57: {  	_ =	shalt  }
0x58: {  	_ =	shalt  }
0x59: {  	_ =	shalt  }
0x5a: {  	_ =	shalt  }
0x5b: {  	_ =	shalt  }
0x5c: {  	_ =	shalt  }
0x5d: {  	_ =	shalt  }
0x5e: {  	_ =	shalt  }
0x5f: {  	_ =	shalt  }
0x60: {  	_ =	shalt  }
0x61: {  	_ =	shalt  }
0x62: {  	_ =	shalt  }
0x63: {  	_ =	shalt  }
0x64: {  	_ =	shalt  }
0x65: {  	_ =	shalt  }
0x66: {  	_ =	shalt  }
0x67: {  	_ =	shalt  }
0x68: {  	_ =	shalt  }
0x69: {  	_ =	shalt  }
0x6a: {  	_ =	shalt  }
0x6b: {  	_ =	shalt  }
0x6c: {  	_ =	shalt  }
0x6d: {  	_ =	shalt  }
0x6e: {  	_ =	shalt  }
0x6f: {  	_ =	shalt  }
0x70: {  	_ =	shalt  }
0x71: {  	_ =	shalt  }
0x72: {  	_ =	shalt  }
0x73: {  	_ =	shalt  }
0x74: {  	_ =	shalt  }
0x75: {  	_ =	shalt  }
0x76: {  	_ =	shalt  }
0x77: {  	_ =	shalt  }
0x78: {  	_ =	shalt  }
0x79: {  	_ =	shalt  }
0x7a: {  	_ =	shalt  }
0x7b: {  	_ =	shalt  }
0x7c: {  	_ =	shalt  }
0x7d: {  	_ =	shalt  }
0x7e: {  	_ =	shalt  }
0x7f: {  	_ =	shalt  }
0x80: {  	_ =	shalt  }
0x81: {  	_ =	shalt  }
0x82: {  	_ =	shalt  }
0x83: {  	_ =	shalt  }
0x84: {  	_ =	shalt  }
0x85: {  	_ =	shalt  }
0x86: {  	_ =	shalt  }
0x87: {  	_ =	shalt  }
.Lfunc_end0:
.L_simem_size_0:
called_computation.1_lowered:
.L_overlay_start_0:
0x88: {  	s2 =	sld [smem:$0x3FD9]  }
0x89: {  	s3 =	sld [smem:$0x3FFE];
	_ =	sdelay $0x1  }
0x8a: {  	s1 =	srdreg.scid  }
0x8b: {  	s0 =	sand.u32 $0x1, s1  }
0x8c: {  	s14 =	sshll.u32 s0, $0xA;
	s2 =	sadd.s32 s3, s2  }
0x8d: {  	s2 =	sadd.s32 s2, s14  }
0x8e: {  	[smem:$0x3FBC] =	sst s2  }
0x8f: {  	_ = 	snop  }
0x90: {  	s2 =	sld [smem:$0x3FD0];
	_ =	sdelay $0x2  }
0x91: {  	s15 =	simm.s32 $0xA;
	s4 =	simm.s32 $0x10  }
0x92: {  	[smem:s4], [sflag:s15] =	dma.local [hbm:s2], $0x1  }
0x93: {  	_ =	swait.eq [sflag:s15], $0x1  }
0x94: {  	[sflag:s15] =	ssyncset.done $0x0  }
0x95: {  	s16 =	sld [smem:$0x10];
	[sflag:s15] =	ssyncadd.s32 $0xFFFFFFFF  }
0x96: {  	s17 =	sld [smem:$0x11];
	(tm) =	ssettm $0x1  }
0x97: {  	s18 =	sld [smem:$0x3FFB];
	_ =	sdelay $0x3  }
0x98: {  	_ =	strace s18  }
0x99: {  	s4 =	sld [smem:$0x3FFC];
	_ =	sdelay $0x3  }
0x9a: {  	_ =	strace s4  }
0x9b: {  	s4 =	sld [smem:$0x3FFD];
	_ =	sdelay $0x3  }
0x9c: {  	_ =	strace s4  }
0x9d: {  	_ =	strace $0x8FFFFFFF  }
0x9e: {  	s19 =	sld [smem:$0x3FDB];
	_ =	sdelay $0x1  }
0x9f: {  	s5 =	simm.s32 $_scs_section_size  }
0xa0: {  	s6 =	simm.s32 $_size__tile_overlayer_lowered;
	s7 =	simm.s32 $_tile_overlayer_lowered  }
0xa1: {  	s22 =	simm.s32 $0x1BFF;
	s21 =	sshll.u32 s7, $0x1;
	s4 =	sadd.s32 s5, s19  }
0xa2: {  	s8 =	simm.s32 $0x0;
	s20 =	sshll.u32 s6, $0x1;
	s6 =	sadd.s32 s21, s4  }
0xa3: {  	[timem:s8], [sflag:s22] =	dma.local [hbm:s6], s20  }
0xa4: {  	_ =	swait.ge [sflag:s22], s20  }
0xa5: {  	s5 =	ssub.s32 $0x0, s20;
	[sflag:s22] =	ssyncset.done $0x0  }
0xa6: {  	[sflag:s22] =	ssyncadd.s32 s5;
	_ =	sdelay $0x1  }
0xa7: {  	s23 =	simm.s32 $0x1B8B  }
0xa8: {  	_ =	swait.ge [sflag:s23], $0x1  }
0xa9: {  	[sflag:s23] =	ssyncset.done $0x0  }
0xaa: {  	s25 =	simm.s32 $0x1B8E;
	s24 =	sld [smem:$0x3FFE];
	[sflag:s23] =	ssyncadd.s32 $0xFFFFFFFF  }
0xab: {  	s26 =	simm.s32 $execute0_lowered;
	[smem:$0x3FD2] =	sst s25  }
0xac: {  	s6 =	sshll.u32 s26, $0x1;
	_ =	strace $0x80000049;
	[dreg:$0x1] =	wrdreg $0xFFFFFFFF  }
0xad: {  	s28 =	simm.s32 $_size_execute0_lowered;
	s4 =	sadd.s32 s4, s6;
	[dreg:$0x0] =	wrdreg $0x0  }
0xae: {  	s6 =	sshll.u32 s28, $0x1;
	[dreg:$0x2] =	wrdreg s4  }
0xaf: {  	[dreg:$0x3] =	wrdreg s6  }
0xb0: {  	[dreg:$0x4] =	wrdreg $0xC0  }
0xb1: {  	_ =	task [dreg:s8], $0x5FFFF  }
0xb2: {  	[dreg:$0x1] =	wrdreg $0xFFFFFFFF  }
0xb3: {  	[dreg:$0x0] =	wrdreg $0x60  }
0xb4: {  	[dreg:$0x2] =	wrdreg s24  }
0xb5: {  	[dreg:$0x3] =	wrdreg s17  }
0xb6: {  	[dreg:$0x4] =	wrdreg s16  }
0xb7: {  	[dreg:$0x5] =	wrdreg $0x81000  }
0xb8: {  	[dreg:$0x6] =	wrdreg $0x9  }
0xb9: {  	_ =	task.clear_ibuf [dreg:s8], $0x7FFFF;
	_ =	strace $0x90000049  }
0xba: {  	s29 =	simm.s32 $0x9;
	_ =	strace $0x8000004B  }
0xbb: {  	_ =	swait.ge [sflag:s29], $0x1  }
0xbc: {  	[sflag:s29] =	ssyncadd.s32 $0xFFFFFFFF  }
0xbd: {  	_ =	strace $0x9000004B  }
0xbe: {  	_ =	sfence  }
0xbf: {  	s30 =	sld [smem:$0x0];
	_ =	sdelay $0x2  }
0xc0: {  	s31 =	sshll.u32 s1, $0xD;
	s1 =	sshrl.u32 s1, $0x2  }
0xc1: {  	s3 =	sand.u32 $0x4000, s31;
	s1 =	sadd.s32 s1, s30  }
0xc2: {  	s0 =	sor.u32 s3, s0;
	s1 =	sshll.u32 s1, $0x11  }
0xc3: {  	s0 =	sor.u32 s1, s0  }
0xc4: {  	s0 =	sadd.s32 $0x8F2B, s0  }
0xc5: {  	[sflag:s0] =	ssyncadd.remote.s32 $0x1  }
0xc6: {  	_ =	sfence.sel $0xFFFF  }
0xc7: {  	[dreg:$0x0] =	wrdreg $0xFFFFFFFF;
	(pc) =	sbr.abs _section_cstart, $3  }
0xc8: {  	[dreg:$0x1] =	wrdreg $0xFFFFFFFF  }
0xc9: {  	_ =	task.clear_ibuf [dreg:s8], $0x2FFFF;
	_ =	strace $0x9FFFFFFF  }
0xca: {  	(tm) =	ssettm $0x7FFFFFFF  }
0xcb: {  	_ =	shalt  }
tec
execute0_lowered:
.L_overlay_start_1:
0x0: {  	(tag) =	ssettag $0x1  }
0x1: {  	s5 =	rddreg [dreg:$0x0]  }
0x2: {  	s11 =	rddreg [dreg:$0x1]  }
0x3: {  	s12 =	rddreg [dreg:$0x2]  }
0x4: {  	s1 =	rddreg [dreg:$0x3];
	s2 =	srdreg.scid  }
0x5: {  	s0 =	rddreg [dreg:$0x4];
	s3 =	simm.s32 $0x0;
	s10 =	sand.u32 $0x1, s2  }
0x6: {  	s17 =	simm.s32 $0x100;
	s2 =	stileid.u32;
	s6 =	smul.u32 $0x140000, s10  }
0x7: {  	s18 =	simm.s32 $0x1;
	s21 =	simm.s32 $0x0;
	s7 =	smul.u32 $0x14000, s2  }
0x8: {  	[smem:$0x7FF] =	sst s3;
	s4 =	sadd.s32 $0x2600, s5;
	s8 =	smul.u32 $0x50000, s2  }
0x9: {  	_ =	strace $0x8000004A;
	s30 =	ssub.s32 $0x2, s10;
	s15 =	smul.u32 $0x9E0, s2  }
0xa: {  	s16 =	smul.u32 $0x4F0, s10;
	s19 =	sshll.u32 s2, $0x6;
	s9 =	sshrl.u32 s30, $0x1  }
0xb: {  	s19 =	sor.u32 $0x1C02, s19;
	s6 =	sadd.s32 s7, s6;
	s8 =	sshrl.u32 s8, $0x2  }
0xc: {  	s14 =	ssub.s32 s30, s9;
	s12 =	sadd.s32 s15, s12;
	s31 =	sadd.s32 s15, s11  }
0xd: {  	s15 =	simm.s32 $0x2;
	s6 =	sshrl.u32 s6, $0x3;
	s11 =	smax.u32 s14, $0x1  }
0xe: {  	s12 =	sadd.s32 s16, s12;
	s13 =	sadd.s32 s6, s5;
	s5 =	sadd.s32 s8, s1  }
0xf: {  	s14 =	simm.s32 $0x4100;
	s6 =	sadd.s32 $0x4000, s5;
	s7 =	sadd.s32 $0x8000, s5  }
0x10: {  	s8 =	sadd.s32 $0xC000, s5;
	s9 =	sadd.s32 $0x10000, s5;
	s10 =	sadd.s32 $0x421200, s13  }
0x11: {  	v0 =	vimm.f32 $0.0e+00;
	s13 =	sadd.s32 s16, s31;
	s16 =	simm.s32 $0x80;
	s20 =	sshrl.u32 s5, $0x3  }
.LBB2_1:
0x12: {  	s22 =	simm.s32 $0x0;
	s23 =	simm.s32 $0x200  }
.LBB2_2:
0x13: {  	p0 =	sne.s32 s23, $0xFE00;
	[tilespmem:s22+$0x4170] =	vst v0  }
0x14: {  	[tilespmem:s22+$0x4100] =	vst v0  }
0x15: {  	[tilespmem:s22+$0x4110] =	vst v0  }
.Ltmp0:
0x16: {  	[tilespmem:s22+$0x4120] =	vst v0;
	(pc) =	sbr.rel @p0 .LBB2_2-.Ltmp0, $4  }
0x17: {  	[tilespmem:s22+$0x4130] =	vst v0  }
0x18: {  	[tilespmem:s22+$0x4140] =	vst v0  }
0x19: {  	[tilespmem:s22+$0x4150] =	vst v0  }
0x1a: {  	[tilespmem:s22+$0x4160] =	vst v0;
	s22 =	sshra.s32 s23, $0x2;
	s23 =	sadd.s32 $0x200, s23  }
0x1b: {  	[tilespmem:s22+$0x4170] =	vst v0  }
0x1c: {  	[tilespmem:s22+$0x4100] =	vst v0  }
0x1d: {  	[tilespmem:s22+$0x4110] =	vst v0  }
0x1e: {  	[tilespmem:s22+$0x4120] =	vst v0  }
0x1f: {  	[tilespmem:s22+$0x4130] =	vst v0  }
0x20: {  	[tilespmem:s22+$0x4140] =	vst v0  }
0x21: {  	[tilespmem:s22+$0x4150] =	vst v0  }
0x22: {  	[tilespmem:s22+$0x4160] =	vst v0  }
0x23: {  	[spmem:s5] =	stream.linear.scatter [tilespmem:s14], [sflag:$0x2], $0x4000, $0x38;
	[tilespmem:$0x1C100] =	vst v63  }
0x24: {  	_ =	swait.ge [sflag:s15], $0x4000  }
0x25: {  	[sflag:s15] =	ssyncset.done $0x0  }
0x26: {  	[sflag:s15] =	ssyncadd.s32 $0xFFFFC000  }
0x27: {  	[spmem:s6] =	stream.linear.scatter [tilespmem:s14], [sflag:$0x2], $0x4000, $0x38;
	[tilespmem:$0x1C100] =	vst v63  }
0x28: {  	_ =	swait.ge [sflag:s15], $0x4000  }
0x29: {  	[sflag:s15] =	ssyncset.done $0x0  }
0x2a: {  	[sflag:s15] =	ssyncadd.s32 $0xFFFFC000  }
0x2b: {  	[spmem:s7] =	stream.linear.scatter [tilespmem:s14], [sflag:$0x2], $0x4000, $0x38;
	[tilespmem:$0x1C100] =	vst v63  }
0x2c: {  	_ =	swait.ge [sflag:s15], $0x4000  }
0x2d: {  	[sflag:s15] =	ssyncset.done $0x0  }
0x2e: {  	[sflag:s15] =	ssyncadd.s32 $0xFFFFC000  }
0x2f: {  	[spmem:s8] =	stream.linear.scatter [tilespmem:s14], [sflag:$0x2], $0x4000, $0x38;
	[tilespmem:$0x1C100] =	vst v63  }
0x30: {  	_ =	swait.ge [sflag:s15], $0x4000  }
0x31: {  	[sflag:s15] =	ssyncset.done $0x0  }
0x32: {  	[sflag:s15] =	ssyncadd.s32 $0xFFFFC000  }
0x33: {  	[spmem:s9] =	stream.linear.scatter [tilespmem:s14], [sflag:$0x2], $0x4000, $0x38;
	[tilespmem:$0x1C100] =	vst v63  }
0x34: {  	_ =	swait.ge [sflag:s15], $0x4000  }
0x35: {  	[sflag:s15] =	ssyncset.done $0x0  }
0x36: {  	[sflag:s15] =	ssyncadd.s32 $0xFFFFC000  }
0x37: {  	s30 =	sadd.s32 $0x0, s13;
	[bflag:$0x0] =	sbarrier.arrive $0xFFFF  }
0x38: {  	[tilespmem:s3], [sflag:$0x2] =	stream.linear.gather [hbm4b:s30+s3], $0x80, $0x38;
	[tilespmem:$0x1C100] =	vst v63  }
0x39: {  	_ =	swait.ge [sflag:s15], $0x80  }
0x3a: {  	[sflag:s15] =	ssyncset.done $0x0  }
0x3b: {  	s31 =	sadd.s32 $0x0, s12;
	[sflag:s15] =	ssyncadd.s32 $0xFFFFFF80  }
0x3c: {  	[tilespmem:s16], [sflag:$0x2] =	stream.linear.gather [hbm4b:s31+s3], $0x80, $0x38;
	[tilespmem:$0x1C100] =	vst v63  }
0x3d: {  	_ =	swait.ge [sflag:s15], $0x80  }
0x3e: {  	[sflag:s15] =	ssyncset.done $0x0  }
0x3f: {  	[sflag:s15] =	ssyncadd.s32 $0xFFFFFF80  }
0x40: {  	[tilespmem:s17], [sflag:$0x1] =	stream.indirect.gather [hbm4b:s4+s16], $0x80, s3, s16, $0xb8;
	[tilespmem:$0x1C100] =	vst v63  }
0x41: {  	_ =	swait.ge [sflag:s18], $0x4000  }
0x42: {  	[sflag:s18] =	ssyncset.done $0x0  }
0x43: {  	[sflag:s18] =	ssyncadd.s32 $0xFFFFC000  }
0x44: {  	[spmem:s1] =	stream.indirect.scatter.add.f32 [tilespmem:s17], [sflag:$0x2], $0x80, s16, s16, $0xb8;
	[tilespmem:$0x1C100] =	vst v63  }
0x45: {  	_ =	swait.ge [sflag:s15], $0x4000  }
0x46: {  	s22 =	simm.s32 $0x10;
	s23 =	simm.s32 $0x20;
	[sflag:s15] =	ssyncset.done $0x0  }
.LBB2_4:
0x47: {  	s24 =	sadd.s32 s22, s13  }
0x48: {  	[sflag:s15] =	ssyncadd.s32 $0xFFFFC000;
	s25 =	smov.u32 s23;
	s26 =	sadd.s32 $0x10, s23  }
0x49: {  	[tilespmem:s3], [sflag:$0x2] =	stream.linear.gather [hbm4b:s24+s3], $0x80, $0x38;
	[tilespmem:$0x1C100] =	vst v63  }
0x4a: {  	p0 =	sne.s32 s23, $0x4E0;
	_ =	swait.ge [sflag:s15], $0x80  }
0x4b: {  	[sflag:s15] =	ssyncset.done $0x0  }
0x4c: {  	s23 =	sadd.s32 s22, s12;
	s22 =	smov.u32 s25;
	[sflag:s15] =	ssyncadd.s32 $0xFFFFFF80  }
0x4d: {  	[tilespmem:s16], [sflag:$0x2] =	stream.linear.gather [hbm4b:s23+s3], $0x80, $0x38;
	[tilespmem:$0x1C100] =	vst v63  }
0x4e: {  	_ =	swait.ge [sflag:s15], $0x80  }
0x4f: {  	[sflag:s15] =	ssyncset.done $0x0  }
0x50: {  	[sflag:s15] =	ssyncadd.s32 $0xFFFFFF80  }
0x51: {  	[tilespmem:s17], [sflag:$0x1] =	stream.indirect.gather [hbm4b:s4+s16], $0x80, s3, s16, $0xb8;
	[tilespmem:$0x1C100] =	vst v63  }
0x52: {  	_ =	swait.ge [sflag:s18], $0x4000  }
.Ltmp1:
0x53: {  	[sflag:s18] =	ssyncset.done $0x0;
	(pc) =	sbr.rel @p0 .LBB2_4-.Ltmp1, $4  }
0x54: {  	[sflag:s18] =	ssyncadd.s32 $0xFFFFC000  }
0x55: {  	[spmem:s1] =	stream.indirect.scatter.add.f32 [tilespmem:s17], [sflag:$0x2], $0x80, s16, s16, $0xb8;
	[tilespmem:$0x1C100] =	vst v63  }
0x56: {  	_ =	swait.ge [sflag:s15], $0x4000  }
0x57: {  	s23 =	smov.u32 s26;
	[sflag:s15] =	ssyncset.done $0x0  }
0x58: {  	s23 =	sadd.s32 s22, s13;
	[sflag:s15] =	ssyncadd.s32 $0xFFFFC000  }
0x59: {  	[tilespmem:s3], [sflag:$0x2] =	stream.linear.gather [hbm4b:s23+s3], $0x80, $0x38;
	[tilespmem:$0x1C100] =	vst v63  }
0x5a: {  	_ =	swait.ge [sflag:s15], $0x80  }
0x5b: {  	[sflag:s15] =	ssyncset.done $0x0  }
0x5c: {  	s31 =	sadd.s32 s22, s12;
	[sflag:s15] =	ssyncadd.s32 $0xFFFFFF80  }
0x5d: {  	[tilespmem:s16], [sflag:$0x2] =	stream.linear.gather [hbm4b:s31+s3], $0x80, $0x38;
	[tilespmem:$0x1C100] =	vst v63  }
0x5e: {  	_ =	swait.ge [sflag:s15], $0x80  }
0x5f: {  	[sflag:s15] =	ssyncset.done $0x0  }
0x60: {  	[sflag:s15] =	ssyncadd.s32 $0xFFFFFF80  }
0x61: {  	[tilespmem:s17], [sflag:$0x1] =	stream.indirect.gather [hbm4b:s4+s16], $0x80, s3, s16, $0xb8;
	[tilespmem:$0x1C100] =	vst v63  }
0x62: {  	_ =	swait.ge [sflag:s18], $0x4000  }
0x63: {  	[sflag:s18] =	ssyncset.done $0x0  }
0x64: {  	[sflag:s18] =	ssyncadd.s32 $0xFFFFC000  }
0x65: {  	[spmem:s1] =	stream.indirect.scatter.add.f32 [tilespmem:s17], [sflag:$0x2], $0x80, s16, s16, $0xb8;
	[tilespmem:$0x1C100] =	vst v63  }
0x66: {  	_ =	swait.ge [sflag:s15], $0x4000  }
0x67: {  	s21 =	sadd.s32 $0x1, s21;
	[sflag:s15] =	ssyncset.done $0x0  }
0x68: {  	p0 =	sne.s32 s21, s11;
	[sflag:s15] =	ssyncadd.s32 $0xFFFFC000  }
.Ltmp2:
0x69: {  	[bflag:$0x0] =	sbarrier.arrive $0xFFFF;
	(pc) =	sbr.rel @p0 .LBB2_1-.Ltmp2, $4  }
0x6a: {  	[hbm:s10], [sflag:s19] =	dma.local [spmem:s20], $0x2800  }
0x6b: {  	_ =	swait.ge [sflag:s15], $0x2800  }
0x6c: {  	[sflag:s15] =	ssyncset.done $0x0  }
0x6d: {  	[sflag:s15] =	ssyncadd.s32 $0xFFFFD800  }
0x6e: {  	_ =	sfence.sel $0x180000  }
0x6f: {  	[bflag:$0x0] =	sbarrier.arrive $0xFFFF  }
0x70: {  	p0 =	sne.s32 s2, $0x0;
	_ =	strace $0x9000004A  }
0x71: {  	s0 =	sadd.s32 @!p0 $0x100000, s0;
	[bflag:$0x2] =	sbarrier.arrive $0xFFFF  }
0x72: {  	[sflag:s0] =	ssyncadd.tile.s32 @!p0 $0x1;
	_ =	shalt  }
.Lfunc_end2:
_tile_overlayer_lowered:
.L_overlay_start_2:
0x73: {  	(tag) =	ssettag $0x2  }
0x74: {  	s0 =	rddreg [dreg:$0x0];
	s2 =	stileid.u32  }
0x75: {  	s1 =	rddreg [dreg:$0x1];
	p0 =	sne.s32 s2, $0x0  }
0x76: {  	s3 =	rddreg [dreg:$0x2];
	[bflag:$0x3] =	sbarrier.arrive $0xFFFF;
	s2 =	simm.s32 @!p0 $0x1C02  }
0x77: {  	[timem:s3], [sflag:s2] =	dma.local @!p0 [hbm:s0], s1  }
0x78: {  	s0 =	simm.s32 @!p0 $0x2  }
0x79: {  	_ =	swait.ge @!p0 [sflag:s0], s1  }
0x7a: {  	s1 =	ssub.s32 @!p0 $0x0, s1;
	[sflag:s0] =	ssyncset.done @!p0 $0x0  }
0x7b: {  	[sflag:s0] =	ssyncadd.s32 @!p0 s1  }
0x7c: {  	[bflag:$0x3] =	sbarrier.arrive $0xFFFF  }
0x7d: {  	_ =	shalt  }

// kernel: kernel.8.cloned.1.call-start
scs
__scs_entry_jumppad:
0x0: {  	(pc) =	sbr.rel $0x88, $3  }
0x1: {  	(tag) =	ssettag $0x0;
	lr =	simm.s32 $0x1  }
0x2: {  	[smem:$0x3F95] =	sst lr;
	_ =	strace $0xD0000000  }
0x3: {  	_ = 	snop  }
0x4: {  	_ = 	snop  }
0x5: {  	_ = 	snop  }
0x6: {  	_ = 	snop  }
0x7: {  	_ = 	snop  }
__scs_overlays_trampoline_lowered:
0x8: {  	[smem:$0x3FA4] =	sst s0  }
0x9: {  	[smem:$0x3FA5] =	sst s1  }
0xa: {  	[smem:$0x3FA6] =	sst s2  }
0xb: {  	[smem:$0x3FA7] =	sst s3  }
0xc: {  	[smem:$0x3FA8] =	sst s4  }
0xd: {  	[smem:$0x3FA9] =	sst s5  }
0xe: {  	[smem:$0x3FAA] =	sst s6  }
0xf: {  	[smem:$0x3FAB] =	sst s7  }
0x10: {  	[smem:$0x3FAC] =	sst s8  }
0x11: {  	[smem:$0x3FAD] =	sst s9;
	s0 =	simm.s32 @!p0 $0x0  }
0x12: {  	s1 =	sld [smem:$0x3F93];
	s0 =	simm.s32 @p0 $0x1  }
0x13: {  	[smem:$0x3FAE] =	sst s0;
	s0 =	simm.s32 @!p1 $0x0  }
0x14: {  	s2 =	sld [smem:$0x3F92];
	s0 =	simm.s32 @p1 $0x1  }
0x15: {  	[smem:$0x3FAF] =	sst s0;
	s0 =	simm.s32 @!p2 $0x0  }
0x16: {  	s3 =	sld [smem:$0x3FDB];
	s0 =	simm.s32 @p2 $0x1  }
0x17: {  	s4 =	simm.s32 $0x1BF5;
	[smem:$0x3FB1] =	sst s0  }
0x18: {  	s0 =	sld [smem:$0x3F94];
	_ =	swait.ge [sflag:s4], $0x0  }
0x19: {  	s7 =	sld [smem:$0x3F95]  }
0x1a: {  	s8 =	sadd.s32 $0xFFFFE003, lr  }
0x1b: {  	s9 =	sadd.s32 $0xFFFFFEF7, lr;
	s5 =	simm.s32 $0xFFFFFFFF;
	p2 =	slt.u32 s8, $0xFFFFF086  }
0x1c: {  	p1 =	slt.u32 s9, $0xF7A;
	s5 =	simm.s32 @!p2 $0x0  }
0x1d: {  	s5 =	simm.s32 @p1 $0x1;
	p0 =	seq.s32 s7, s2  }
0x1e: {  	s7 =	smul.u32 @!p0 $0xF7A, s2;
	p2 =	seq.s32 @!p0 s5, $0x0  }
0x1f: {  	s9 =	smul.u32 $0xF7A, s1;
	s8 =	simm.s32 @!p0 $0x1BF5;
	p2 =	por !p2, p0  }
0x20: {  	[sflag:s8] =	ssyncset.s32 @!p0 $0xFFFFF086;
	s6 =	sadd.s32 @!p0 s3, s7;
	s7 =	simm.s32 @!p0 $0x108  }
0x21: {  	s3 =	sadd.s32 s3, s9;
	s6 =	sadd.s32 @!p0 $0x88, s6;
	s7 =	simm.s32 @p2 $0x1082  }
0x22: {  	[simem:s7], [sflag:s8] =	dma.local @!p0 [hbm:s6], $0xF7A  }
0x23: {  	s9 =	sor.u32 $0xD0000000, s2;
	s6 =	simm.s32 $0x108;
	_ =	swait.ge @!p0 [sflag:s8], $0x0  }
0x24: {  	s3 =	sadd.s32 $0x88, s3;
	s6 =	simm.s32 @!p1 $0x1082;
	[sflag:s4] =	ssyncset.s32 $0xFFFFF086  }
0x25: {  	[simem:s6], [sflag:s4] =	dma.local [hbm:s3], $0xF7A  }
0x26: {  	[smem:$0x3F95] =	sst s1;
	(tag) =	ssettag s2;
	_ =	strace s9  }
0x27: {  	s1 =	sld [smem:$0x3FA5]  }
0x28: {  	s2 =	sld [smem:$0x3FA6]  }
0x29: {  	s4 =	sld [smem:$0x3FA8]  }
0x2a: {  	p0 =	seq.s32 s5, $0x0;
	s5 =	sld [smem:$0x3FA9]  }
0x2b: {  	s6 =	sld [smem:$0x3FAA]  }
0x2c: {  	s7 =	sld [smem:$0x3FAB]  }
0x2d: {  	s3 =	simm.s32 $0x108;
	s8 =	sld [smem:$0x3FAC]  }
0x2e: {  	s3 =	simm.s32 @!p0 $0x1082;
	s9 =	sld [smem:$0x3FAD]  }
0x2f: {  	lr =	sadd.s32 s0, s3;
	s0 =	sld [smem:$0x3FA4]  }
0x30: {  	s3 =	sld [smem:$0x3FA7]  }
0x31: {  	[smem:$0x3FB0] =	sst s10  }
0x32: {  	s10 =	sld [smem:$0x3FAE];
	_ =	sdelay $0x3  }
0x33: {  	p0 =	seq.s32 s10, $0x1;
	s10 =	sld [smem:$0x3FB0];
	_ =	sdelay $0x3  }
0x34: {  	[smem:$0x3FB0] =	sst s10  }
0x35: {  	s10 =	sld [smem:$0x3FAF];
	_ =	sdelay $0x3  }
0x36: {  	p1 =	seq.s32 s10, $0x1;
	s10 =	sld [smem:$0x3FB0];
	_ =	sdelay $0x3  }
0x37: {  	[smem:$0x3FB0] =	sst s10  }
0x38: {  	s10 =	sld [smem:$0x3FB1]  }
0x39: {  	_ = 	snop;
	(pc) =	sbr.ind lr, $3  }
0x3a: {  	_ = 	snop  }
0x3b: {  	_ = 	snop  }
0x3c: {  	p2 =	seq.s32 s10, $0x1;
	s10 =	sld [smem:$0x3FB0]  }
0x3d: {  	_ =	shalt  }
0x3e: {  	_ =	shalt  }
0x3f: {  	_ =	shalt  }
0x40: {  	_ =	shalt  }
0x41: {  	_ =	shalt  }
0x42: {  	_ =	shalt  }
0x43: {  	_ =	shalt  }
0x44: {  	_ =	shalt  }
0x45: {  	_ =	shalt  }
0x46: {  	_ =	shalt  }
0x47: {  	_ =	shalt  }
0x48: {  	_ =	shalt  }
0x49: {  	_ =	shalt  }
0x4a: {  	_ =	shalt  }
0x4b: {  	_ =	shalt  }
0x4c: {  	_ =	shalt  }
0x4d: {  	_ =	shalt  }
0x4e: {  	_ =	shalt  }
0x4f: {  	_ =	shalt  }
0x50: {  	_ =	shalt  }
0x51: {  	_ =	shalt  }
0x52: {  	_ =	shalt  }
0x53: {  	_ =	shalt  }
0x54: {  	_ =	shalt  }
0x55: {  	_ =	shalt  }
0x56: {  	_ =	shalt  }
0x57: {  	_ =	shalt  }
0x58: {  	_ =	shalt  }
0x59: {  	_ =	shalt  }
0x5a: {  	_ =	shalt  }
0x5b: {  	_ =	shalt  }
0x5c: {  	_ =	shalt  }
0x5d: {  	_ =	shalt  }
0x5e: {  	_ =	shalt  }
0x5f: {  	_ =	shalt  }
0x60: {  	_ =	shalt  }
0x61: {  	_ =	shalt  }
0x62: {  	_ =	shalt  }
0x63: {  	_ =	shalt  }
0x64: {  	_ =	shalt  }
0x65: {  	_ =	shalt  }
0x66: {  	_ =	shalt  }
0x67: {  	_ =	shalt  }
0x68: {  	_ =	shalt  }
0x69: {  	_ =	shalt  }
0x6a: {  	_ =	shalt  }
0x6b: {  	_ =	shalt  }
0x6c: {  	_ =	shalt  }
0x6d: {  	_ =	shalt  }
0x6e: {  	_ =	shalt  }
0x6f: {  	_ =	shalt  }
0x70: {  	_ =	shalt  }
0x71: {  	_ =	shalt  }
0x72: {  	_ =	shalt  }
0x73: {  	_ =	shalt  }
0x74: {  	_ =	shalt  }
0x75: {  	_ =	shalt  }
0x76: {  	_ =	shalt  }
0x77: {  	_ =	shalt  }
0x78: {  	_ =	shalt  }
0x79: {  	_ =	shalt  }
0x7a: {  	_ =	shalt  }
0x7b: {  	_ =	shalt  }
0x7c: {  	_ =	shalt  }
0x7d: {  	_ =	shalt  }
0x7e: {  	_ =	shalt  }
0x7f: {  	_ =	shalt  }
0x80: {  	_ =	shalt  }
0x81: {  	_ =	shalt  }
0x82: {  	_ =	shalt  }
0x83: {  	_ =	shalt  }
0x84: {  	_ =	shalt  }
0x85: {  	_ =	shalt  }
0x86: {  	_ =	shalt  }
0x87: {  	_ =	shalt  }
.Lfunc_end0:
.L_simem_size_0:
called_computation_lowered:
.L_overlay_start_0:
0x88: {  	s2 =	sld [smem:$0x3FD9]  }
0x89: {  	s3 =	sld [smem:$0x3FFE];
	_ =	sdelay $0x1  }
0x8a: {  	s1 =	srdreg.scid  }
0x8b: {  	s0 =	sand.u32 $0x1, s1  }
0x8c: {  	s14 =	sshll.u32 s0, $0xA;
	s2 =	sadd.s32 s3, s2  }
0x8d: {  	s2 =	sadd.s32 s2, s14  }
0x8e: {  	[smem:$0x3FBC] =	sst s2  }
0x8f: {  	_ = 	snop  }
0x90: {  	s2 =	sld [smem:$0x3FD0];
	_ =	sdelay $0x2  }
0x91: {  	s15 =	simm.s32 $0xA;
	s4 =	simm.s32 $0x10  }
0x92: {  	[smem:s4], [sflag:s15] =	dma.local [hbm:s2], $0x1  }
0x93: {  	_ =	swait.eq [sflag:s15], $0x1  }
0x94: {  	[sflag:s15] =	ssyncset.done $0x0  }
0x95: {  	s16 =	sld [smem:$0x10];
	[sflag:s15] =	ssyncadd.s32 $0xFFFFFFFF  }
0x96: {  	s17 =	sld [smem:$0x11];
	(tm) =	ssettm $0x1  }
0x97: {  	s18 =	sld [smem:$0x3FFB];
	_ =	sdelay $0x3  }
0x98: {  	_ =	strace s18  }
0x99: {  	s4 =	sld [smem:$0x3FFC];
	_ =	sdelay $0x3  }
0x9a: {  	_ =	strace s4  }
0x9b: {  	s4 =	sld [smem:$0x3FFD];
	_ =	sdelay $0x3  }
0x9c: {  	_ =	strace s4  }
0x9d: {  	_ =	strace $0x8FFFFFFF  }
0x9e: {  	s19 =	sld [smem:$0x3FDB];
	_ =	sdelay $0x1  }
0x9f: {  	s5 =	simm.s32 $_scs_section_size  }
0xa0: {  	s6 =	simm.s32 $_size__tile_overlayer_lowered;
	s7 =	simm.s32 $_tile_overlayer_lowered  }
0xa1: {  	s22 =	simm.s32 $0x1BFF;
	s21 =	sshll.u32 s7, $0x1;
	s4 =	sadd.s32 s5, s19  }
0xa2: {  	s8 =	simm.s32 $0x0;
	s20 =	sshll.u32 s6, $0x1;
	s6 =	sadd.s32 s21, s4  }
0xa3: {  	[timem:s8], [sflag:s22] =	dma.local [hbm:s6], s20  }
0xa4: {  	_ =	swait.ge [sflag:s22], s20  }
0xa5: {  	s5 =	ssub.s32 $0x0, s20;
	[sflag:s22] =	ssyncset.done $0x0  }
0xa6: {  	[sflag:s22] =	ssyncadd.s32 s5;
	_ =	sdelay $0x1  }
0xa7: {  	s23 =	simm.s32 $0x1B8B  }
0xa8: {  	_ =	swait.ge [sflag:s23], $0x1  }
0xa9: {  	[sflag:s23] =	ssyncset.done $0x0  }
0xaa: {  	s25 =	simm.s32 $0x1B8E;
	s24 =	sld [smem:$0x3FFE];
	[sflag:s23] =	ssyncadd.s32 $0xFFFFFFFF  }
0xab: {  	s26 =	simm.s32 $execute0_lowered;
	[smem:$0x3FD2] =	sst s25  }
0xac: {  	s6 =	sshll.u32 s26, $0x1;
	_ =	strace $0x80000046;
	[dreg:$0x1] =	wrdreg $0xFFFFFFFF  }
0xad: {  	s28 =	simm.s32 $_size_execute0_lowered;
	s4 =	sadd.s32 s4, s6;
	[dreg:$0x0] =	wrdreg $0x0  }
0xae: {  	s6 =	sshll.u32 s28, $0x1;
	[dreg:$0x2] =	wrdreg s4  }
0xaf: {  	[dreg:$0x3] =	wrdreg s6  }
0xb0: {  	[dreg:$0x4] =	wrdreg $0xC0  }
0xb1: {  	_ =	task [dreg:s8], $0x5FFFF  }
0xb2: {  	[dreg:$0x1] =	wrdreg $0xFFFFFFFF  }
0xb3: {  	[dreg:$0x0] =	wrdreg $0x60  }
0xb4: {  	[dreg:$0x2] =	wrdreg s24  }
0xb5: {  	[dreg:$0x3] =	wrdreg s17  }
0xb6: {  	[dreg:$0x4] =	wrdreg s16  }
0xb7: {  	[dreg:$0x5] =	wrdreg $0x81000  }
0xb8: {  	[dreg:$0x6] =	wrdreg $0x9  }
0xb9: {  	_ =	task.clear_ibuf [dreg:s8], $0x7FFFF;
	_ =	strace $0x90000046  }
0xba: {  	s29 =	simm.s32 $0x9;
	_ =	strace $0x80000048  }
0xbb: {  	_ =	swait.ge [sflag:s29], $0x1  }
0xbc: {  	[sflag:s29] =	ssyncadd.s32 $0xFFFFFFFF  }
0xbd: {  	_ =	strace $0x90000048  }
0xbe: {  	_ =	sfence  }
0xbf: {  	s30 =	sld [smem:$0x0];
	_ =	sdelay $0x2  }
0xc0: {  	s31 =	sshll.u32 s1, $0xD;
	s1 =	sshrl.u32 s1, $0x2  }
0xc1: {  	s3 =	sand.u32 $0x4000, s31;
	s1 =	sadd.s32 s1, s30  }
0xc2: {  	s0 =	sor.u32 s3, s0;
	s1 =	sshll.u32 s1, $0x11  }
0xc3: {  	s0 =	sor.u32 s1, s0  }
0xc4: {  	s0 =	sadd.s32 $0x8F2B, s0  }
0xc5: {  	[sflag:s0] =	ssyncadd.remote.s32 $0x1  }
0xc6: {  	_ =	sfence.sel $0xFFFF  }
0xc7: {  	[dreg:$0x0] =	wrdreg $0xFFFFFFFF;
	(pc) =	sbr.abs _section_cstart, $3  }
0xc8: {  	[dreg:$0x1] =	wrdreg $0xFFFFFFFF  }
0xc9: {  	_ =	task.clear_ibuf [dreg:s8], $0x2FFFF;
	_ =	strace $0x9FFFFFFF  }
0xca: {  	(tm) =	ssettm $0x7FFFFFFF  }
0xcb: {  	_ =	shalt  }
tec
execute0_lowered:
.L_overlay_start_1:
0x0: {  	(tag) =	ssettag $0x1  }
0x1: {  	s5 =	rddreg [dreg:$0x0]  }
0x2: {  	s11 =	rddreg [dreg:$0x1]  }
0x3: {  	s12 =	rddreg [dreg:$0x2]  }
0x4: {  	s1 =	rddreg [dreg:$0x3];
	s2 =	srdreg.scid  }
0x5: {  	s0 =	rddreg [dreg:$0x4];
	s3 =	simm.s32 $0x0;
	s10 =	sand.u32 $0x1, s2  }
0x6: {  	s17 =	simm.s32 $0x100;
	s2 =	stileid.u32;
	s6 =	smul.u32 $0x140000, s10  }
0x7: {  	s18 =	simm.s32 $0x1;
	s21 =	simm.s32 $0x0;
	s7 =	smul.u32 $0x14000, s2  }
0x8: {  	[smem:$0x7FF] =	sst s3;
	s4 =	sadd.s32 $0x2600, s5;
	s8 =	smul.u32 $0x50000, s2  }
0x9: {  	_ =	strace $0x80000047;
	s30 =	ssub.s32 $0x2, s10;
	s15 =	smul.u32 $0x9E0, s2  }
0xa: {  	s16 =	smul.u32 $0x4F0, s10;
	s19 =	sshll.u32 s2, $0x6;
	s9 =	sshrl.u32 s30, $0x1  }
0xb: {  	s19 =	sor.u32 $0x1C02, s19;
	s6 =	sadd.s32 s7, s6;
	s8 =	sshrl.u32 s8, $0x2  }
0xc: {  	s14 =	ssub.s32 s30, s9;
	s12 =	sadd.s32 s15, s12;
	s31 =	sadd.s32 s15, s11  }
0xd: {  	s15 =	simm.s32 $0x2;
	s6 =	sshrl.u32 s6, $0x3;
	s11 =	smax.u32 s14, $0x1  }
0xe: {  	s12 =	sadd.s32 s16, s12;
	s13 =	sadd.s32 s6, s5;
	s5 =	sadd.s32 s8, s1  }
0xf: {  	s14 =	simm.s32 $0x4100;
	s6 =	sadd.s32 $0x4000, s5;
	s7 =	sadd.s32 $0x8000, s5  }
0x10: {  	s8 =	sadd.s32 $0xC000, s5;
	s9 =	sadd.s32 $0x10000, s5;
	s10 =	sadd.s32 $0x421200, s13  }
0x11: {  	v0 =	vimm.f32 $0.0e+00;
	s13 =	sadd.s32 s16, s31;
	s16 =	simm.s32 $0x80;
	s20 =	sshrl.u32 s5, $0x3  }
.LBB2_1:
0x12: {  	s22 =	simm.s32 $0x0;
	s23 =	simm.s32 $0x200  }
.LBB2_2:
0x13: {  	p0 =	sne.s32 s23, $0xFE00;
	[tilespmem:s22+$0x4170] =	vst v0  }
0x14: {  	[tilespmem:s22+$0x4100] =	vst v0  }
0x15: {  	[tilespmem:s22+$0x4110] =	vst v0  }
.Ltmp0:
0x16: {  	[tilespmem:s22+$0x4120] =	vst v0;
	(pc) =	sbr.rel @p0 .LBB2_2-.Ltmp0, $4  }
0x17: {  	[tilespmem:s22+$0x4130] =	vst v0  }
0x18: {  	[tilespmem:s22+$0x4140] =	vst v0  }
0x19: {  	[tilespmem:s22+$0x4150] =	vst v0  }
0x1a: {  	[tilespmem:s22+$0x4160] =	vst v0;
	s22 =	sshra.s32 s23, $0x2;
	s23 =	sadd.s32 $0x200, s23  }
0x1b: {  	[tilespmem:s22+$0x4170] =	vst v0  }
0x1c: {  	[tilespmem:s22+$0x4100] =	vst v0  }
0x1d: {  	[tilespmem:s22+$0x4110] =	vst v0  }
0x1e: {  	[tilespmem:s22+$0x4120] =	vst v0  }
0x1f: {  	[tilespmem:s22+$0x4130] =	vst v0  }
0x20: {  	[tilespmem:s22+$0x4140] =	vst v0  }
0x21: {  	[tilespmem:s22+$0x4150] =	vst v0  }
0x22: {  	[tilespmem:s22+$0x4160] =	vst v0  }
0x23: {  	[spmem:s5] =	stream.linear.scatter [tilespmem:s14], [sflag:$0x2], $0x4000, $0x38;
	[tilespmem:$0x1C100] =	vst v63  }
0x24: {  	_ =	swait.ge [sflag:s15], $0x4000  }
0x25: {  	[sflag:s15] =	ssyncset.done $0x0  }
0x26: {  	[sflag:s15] =	ssyncadd.s32 $0xFFFFC000  }
0x27: {  	[spmem:s6] =	stream.linear.scatter [tilespmem:s14], [sflag:$0x2], $0x4000, $0x38;
	[tilespmem:$0x1C100] =	vst v63  }
0x28: {  	_ =	swait.ge [sflag:s15], $0x4000  }
0x29: {  	[sflag:s15] =	ssyncset.done $0x0  }
0x2a: {  	[sflag:s15] =	ssyncadd.s32 $0xFFFFC000  }
0x2b: {  	[spmem:s7] =	stream.linear.scatter [tilespmem:s14], [sflag:$0x2], $0x4000, $0x38;
	[tilespmem:$0x1C100] =	vst v63  }
0x2c: {  	_ =	swait.ge [sflag:s15], $0x4000  }
0x2d: {  	[sflag:s15] =	ssyncset.done $0x0  }
0x2e: {  	[sflag:s15] =	ssyncadd.s32 $0xFFFFC000  }
0x2f: {  	[spmem:s8] =	stream.linear.scatter [tilespmem:s14], [sflag:$0x2], $0x4000, $0x38;
	[tilespmem:$0x1C100] =	vst v63  }
0x30: {  	_ =	swait.ge [sflag:s15], $0x4000  }
0x31: {  	[sflag:s15] =	ssyncset.done $0x0  }
0x32: {  	[sflag:s15] =	ssyncadd.s32 $0xFFFFC000  }
0x33: {  	[spmem:s9] =	stream.linear.scatter [tilespmem:s14], [sflag:$0x2], $0x4000, $0x38;
	[tilespmem:$0x1C100] =	vst v63  }
0x34: {  	_ =	swait.ge [sflag:s15], $0x4000  }
0x35: {  	[sflag:s15] =	ssyncset.done $0x0  }
0x36: {  	[sflag:s15] =	ssyncadd.s32 $0xFFFFC000  }
0x37: {  	s30 =	sadd.s32 $0x0, s13;
	[bflag:$0x0] =	sbarrier.arrive $0xFFFF  }
0x38: {  	[tilespmem:s3], [sflag:$0x2] =	stream.linear.gather [hbm4b:s30+s3], $0x80, $0x38;
	[tilespmem:$0x1C100] =	vst v63  }
0x39: {  	_ =	swait.ge [sflag:s15], $0x80  }
0x3a: {  	[sflag:s15] =	ssyncset.done $0x0  }
0x3b: {  	s31 =	sadd.s32 $0x0, s12;
	[sflag:s15] =	ssyncadd.s32 $0xFFFFFF80  }
0x3c: {  	[tilespmem:s16], [sflag:$0x2] =	stream.linear.gather [hbm4b:s31+s3], $0x80, $0x38;
	[tilespmem:$0x1C100] =	vst v63  }
0x3d: {  	_ =	swait.ge [sflag:s15], $0x80  }
0x3e: {  	[sflag:s15] =	ssyncset.done $0x0  }
0x3f: {  	[sflag:s15] =	ssyncadd.s32 $0xFFFFFF80  }
0x40: {  	[tilespmem:s17], [sflag:$0x1] =	stream.indirect.gather [hbm4b:s4+s16], $0x80, s3, s16, $0xb8;
	[tilespmem:$0x1C100] =	vst v63  }
0x41: {  	_ =	swait.ge [sflag:s18], $0x4000  }
0x42: {  	[sflag:s18] =	ssyncset.done $0x0  }
0x43: {  	[sflag:s18] =	ssyncadd.s32 $0xFFFFC000  }
0x44: {  	[spmem:s1] =	stream.indirect.scatter.add.f32 [tilespmem:s17], [sflag:$0x2], $0x80, s16, s16, $0xb8;
	[tilespmem:$0x1C100] =	vst v63  }
0x45: {  	_ =	swait.ge [sflag:s15], $0x4000  }
0x46: {  	s22 =	simm.s32 $0x10;
	s23 =	simm.s32 $0x20;
	[sflag:s15] =	ssyncset.done $0x0  }
.LBB2_4:
0x47: {  	s24 =	sadd.s32 s22, s13  }
0x48: {  	[sflag:s15] =	ssyncadd.s32 $0xFFFFC000;
	s25 =	smov.u32 s23;
	s26 =	sadd.s32 $0x10, s23  }
0x49: {  	[tilespmem:s3], [sflag:$0x2] =	stream.linear.gather [hbm4b:s24+s3], $0x80, $0x38;
	[tilespmem:$0x1C100] =	vst v63  }
0x4a: {  	p0 =	sne.s32 s23, $0x4E0;
	_ =	swait.ge [sflag:s15], $0x80  }
0x4b: {  	[sflag:s15] =	ssyncset.done $0x0  }
0x4c: {  	s23 =	sadd.s32 s22, s12;
	s22 =	smov.u32 s25;
	[sflag:s15] =	ssyncadd.s32 $0xFFFFFF80  }
0x4d: {  	[tilespmem:s16], [sflag:$0x2] =	stream.linear.gather [hbm4b:s23+s3], $0x80, $0x38;
	[tilespmem:$0x1C100] =	vst v63  }
0x4e: {  	_ =	swait.ge [sflag:s15], $0x80  }
0x4f: {  	[sflag:s15] =	ssyncset.done $0x0  }
0x50: {  	[sflag:s15] =	ssyncadd.s32 $0xFFFFFF80  }
0x51: {  	[tilespmem:s17], [sflag:$0x1] =	stream.indirect.gather [hbm4b:s4+s16], $0x80, s3, s16, $0xb8;
	[tilespmem:$0x1C100] =	vst v63  }
0x52: {  	_ =	swait.ge [sflag:s18], $0x4000  }
.Ltmp1:
0x53: {  	[sflag:s18] =	ssyncset.done $0x0;
	(pc) =	sbr.rel @p0 .LBB2_4-.Ltmp1, $4  }
0x54: {  	[sflag:s18] =	ssyncadd.s32 $0xFFFFC000  }
0x55: {  	[spmem:s1] =	stream.indirect.scatter.add.f32 [tilespmem:s17], [sflag:$0x2], $0x80, s16, s16, $0xb8;
	[tilespmem:$0x1C100] =	vst v63  }
0x56: {  	_ =	swait.ge [sflag:s15], $0x4000  }
0x57: {  	s23 =	smov.u32 s26;
	[sflag:s15] =	ssyncset.done $0x0  }
0x58: {  	s23 =	sadd.s32 s22, s13;
	[sflag:s15] =	ssyncadd.s32 $0xFFFFC000  }
0x59: {  	[tilespmem:s3], [sflag:$0x2] =	stream.linear.gather [hbm4b:s23+s3], $0x80, $0x38;
	[tilespmem:$0x1C100] =	vst v63  }
0x5a: {  	_ =	swait.ge [sflag:s15], $0x80  }
0x5b: {  	[sflag:s15] =	ssyncset.done $0x0  }
0x5c: {  	s31 =	sadd.s32 s22, s12;
	[sflag:s15] =	ssyncadd.s32 $0xFFFFFF80  }
0x5d: {  	[tilespmem:s16], [sflag:$0x2] =	stream.linear.gather [hbm4b:s31+s3], $0x80, $0x38;
	[tilespmem:$0x1C100] =	vst v63  }
0x5e: {  	_ =	swait.ge [sflag:s15], $0x80  }
0x5f: {  	[sflag:s15] =	ssyncset.done $0x0  }
0x60: {  	[sflag:s15] =	ssyncadd.s32 $0xFFFFFF80  }
0x61: {  	[tilespmem:s17], [sflag:$0x1] =	stream.indirect.gather [hbm4b:s4+s16], $0x80, s3, s16, $0xb8;
	[tilespmem:$0x1C100] =	vst v63  }
0x62: {  	_ =	swait.ge [sflag:s18], $0x4000  }
0x63: {  	[sflag:s18] =	ssyncset.done $0x0  }
0x64: {  	[sflag:s18] =	ssyncadd.s32 $0xFFFFC000  }
0x65: {  	[spmem:s1] =	stream.indirect.scatter.add.f32 [tilespmem:s17], [sflag:$0x2], $0x80, s16, s16, $0xb8;
	[tilespmem:$0x1C100] =	vst v63  }
0x66: {  	_ =	swait.ge [sflag:s15], $0x4000  }
0x67: {  	s21 =	sadd.s32 $0x1, s21;
	[sflag:s15] =	ssyncset.done $0x0  }
0x68: {  	p0 =	sne.s32 s21, s11;
	[sflag:s15] =	ssyncadd.s32 $0xFFFFC000  }
.Ltmp2:
0x69: {  	[bflag:$0x0] =	sbarrier.arrive $0xFFFF;
	(pc) =	sbr.rel @p0 .LBB2_1-.Ltmp2, $4  }
0x6a: {  	[hbm:s10], [sflag:s19] =	dma.local [spmem:s20], $0x2800  }
0x6b: {  	_ =	swait.ge [sflag:s15], $0x2800  }
0x6c: {  	[sflag:s15] =	ssyncset.done $0x0  }
0x6d: {  	[sflag:s15] =	ssyncadd.s32 $0xFFFFD800  }
0x6e: {  	_ =	sfence.sel $0x180000  }
0x6f: {  	[bflag:$0x0] =	sbarrier.arrive $0xFFFF  }
0x70: {  	p0 =	sne.s32 s2, $0x0;
	_ =	strace $0x90000047  }
0x71: {  	s0 =	sadd.s32 @!p0 $0x100000, s0;
	[bflag:$0x2] =	sbarrier.arrive $0xFFFF  }
0x72: {  	[sflag:s0] =	ssyncadd.tile.s32 @!p0 $0x1;
	_ =	shalt  }
.Lfunc_end2:
_tile_overlayer_lowered:
.L_overlay_start_2:
0x73: {  	(tag) =	ssettag $0x2  }
0x74: {  	s0 =	rddreg [dreg:$0x0];
	s2 =	stileid.u32  }
0x75: {  	s1 =	rddreg [dreg:$0x1];
	p0 =	sne.s32 s2, $0x0  }
0x76: {  	s3 =	rddreg [dreg:$0x2];
	[bflag:$0x3] =	sbarrier.arrive $0xFFFF;
	s2 =	simm.s32 @!p0 $0x1C02  }
0x77: {  	[timem:s3], [sflag:s2] =	dma.local @!p0 [hbm:s0], s1  }
0x78: {  	s0 =	simm.s32 @!p0 $0x2  }
0x79: {  	_ =	swait.ge @!p0 [sflag:s0], s1  }
0x7a: {  	s1 =	ssub.s32 @!p0 $0x0, s1;
	[sflag:s0] =	ssyncset.done @!p0 $0x0  }
0x7b: {  	[sflag:s0] =	ssyncadd.s32 @!p0 s1  }
0x7c: {  	[bflag:$0x3] =	sbarrier.arrive $0xFFFF  }
0x7d: {  	_ =	shalt  }

</sc_bundles>
